<compile_context>
chip_gen: v7x
topology: tpu7x:2x2x1
jax: 0.10.2.dev20260603
libtpu: 0.0.44.dev20260713+nightly
codegen_flags: <defaults>
</compile_context>

<pallas_src>
import functools

import jax
import jax.numpy as jnp
from jax import lax
from jax.experimental import pallas as pl
from jax.experimental.pallas import tpu as pltpu
from jax.experimental.pallas import tpu_sc as plsc

_NUM_CORES = 2
_NUM_SUBCORES = 16
_NUM_WORKERS = _NUM_CORES * _NUM_SUBCORES

_CHUNK = 64
_NBUF = 2


def _make_gather(n, dim, n_per_worker, table_dtype):
    mesh = plsc.VectorSubcoreMesh(
        core_axis_name="c",
        subcore_axis_name="s",
        num_cores=_NUM_CORES,
        num_subcores=_NUM_SUBCORES,
    )
    chunk, nbuf = _CHUNK, _NBUF
    n_iter = n_per_worker // chunk
    assert n_per_worker % chunk == 0
    assert n_iter % nbuf == 0 and n_iter >= 2 * nbuf

    @functools.partial(
        pl.kernel,
        mesh=mesh,
        out_type=jax.ShapeDtypeStruct((n, dim), table_dtype),
        scratch_types=[
            pltpu.VMEM((n_per_worker,), jnp.int32),
            pltpu.VMEM((nbuf, chunk, dim), table_dtype),
        ]
        + [pltpu.SemaphoreType.DMA] * (2 * nbuf),
    )
    def gather_kernel(idx_hbm, table_hbm, out_hbm, idx_v, rows_v, *sems):
        gsem = sems[:nbuf]
        osem = sems[nbuf:]
        wid = lax.axis_index("s") * _NUM_CORES + lax.axis_index("c")
        base = wid * n_per_worker
        pltpu.sync_copy(idx_hbm.at[pl.ds(base, n_per_worker)], idx_v)

        def g_copy(i, b):
            return pltpu.make_async_copy(
                table_hbm.at[idx_v.at[pl.ds(i * chunk, chunk)]],
                rows_v.at[b],
                gsem[b],
            )

        def o_copy(i, b):
            return pltpu.make_async_copy(
                rows_v.at[b],
                out_hbm.at[pl.ds(base + i * chunk, chunk)],
                osem[b],
            )

        for b in range(nbuf - 1):
            g_copy(b, b).start()
        g_copy(0, 0).wait()
        o_copy(0, 0).start()
        g_copy(nbuf - 1, nbuf - 1).start()

        @pl.loop(0, (n_iter - nbuf) // nbuf)
        def _(jb):
            for k in range(nbuf):
                i = jb * nbuf + 1 + k
                b = (1 + k) % nbuf
                bp = k
                g_copy(i, b).wait()
                o_copy(i, b).start()
                o_copy(i - 1, bp).wait()
                g_copy(i + nbuf - 1, bp).start()

        for t in range(nbuf - 1):
            i = n_iter - nbuf + 1 + t
            b = i % nbuf
            g_copy(i, b).wait()
            o_copy(i, b).start()
        for t in range(nbuf):
            i = n_iter - nbuf + t
            o_copy(i, i % nbuf).wait()

    return gather_kernel


def kernel(tokens, table):
    b, s = tokens.shape
    vocab, dim = table.shape
    n = b * s
    assert n % (_NUM_WORKERS * _CHUNK * _NBUF) == 0
    n_per_worker = n // _NUM_WORKERS
    idx = tokens.reshape(n)
    out = _make_gather(n, dim, n_per_worker, table.dtype)(idx, table)
    return out.reshape(b, s, dim)

# --- scband reference (transcript-rebuilt; emitter-appended) ---
"""Pipeline reference for scband-bert-embedder-67491116089578 (READ-ONLY COPY).

The authoritative reference and input builder live on the scoring server;
editing this copy changes nothing except your own understanding.
"""

import jax, jax.numpy as jnp
import numpy as np

VOCAB = 30522
DIM = 768

def setup_inputs(seed: int = 0) -> dict:
    key = jax.random.key(seed)
    k1, k2 = jax.random.split(key)
    tokens = jax.random.randint(k1, (4096, 200), 0, VOCAB, dtype=jnp.int32)
    # stands in for the pretrained bert-base-uncased word embedding table
    table = jax.random.normal(k2, (VOCAB, DIM), dtype=jnp.float32) * 0.02
    return {"tokens": tokens, "table": table}

def reference(tokens, table):
    # nn.Embedding forward == row gather from the embedding table
    return jnp.take(table, tokens, axis=0)

if __name__ == "__main__":
    import jax
    _d = setup_inputs()
    print(jax.jit(kernel)(*tuple(_d.values())))

</pallas_src>

<mosaic_0001>
#map = affine_map<(d0, d1) -> (0)>
#map1 = affine_map<(d0, d1) -> (0, 0)>
module attributes {stable_mosaic.version = 14 : i64} {
  func.func @gather_kernel(%arg0: i32, %arg1: i32, %arg2: memref<819200xi32, #tpu.memory_space<hbm>>, %arg3: memref<30522x768xf32, #tpu.memory_space<hbm>>, %arg4: memref<819200x768xf32, #tpu.memory_space<hbm>>, %arg5: memref<25600xi32, #tpu.memory_space<vmem>>, %arg6: memref<2x64x768xf32, #tpu.memory_space<vmem>>, %arg7: memref<!tpu.dma_semaphore, #tpu.memory_space<semaphore_mem>>, %arg8: memref<!tpu.dma_semaphore, #tpu.memory_space<semaphore_mem>>, %arg9: memref<!tpu.dma_semaphore, #tpu.memory_space<semaphore_mem>>, %arg10: memref<!tpu.dma_semaphore, #tpu.memory_space<semaphore_mem>>) attributes {dimension_semantics = [#tpu.dimension_semantics<core_parallel>, #tpu.dimension_semantics<subcore_parallel>], iteration_bounds = array<i64: 2, 16>, scalar_prefetch = 0 : i64, scratch_operands = 6 : i64, tpu.core_type = #tpu.core_type<sc_vector_subcore>, window_params = [{transform_indices = #map}, {transform_indices = #map1}, {transform_indices = #map1}]} {
    %mul3A = arith.constant 2 : i32
    %mul3A_0 = arith.muli %arg1, %mul3A : i32
    %add3A = arith.addi %mul3A_0, %arg0 : i32
    %mul3A_1 = arith.constant 25600 : i32
    %mul3A_2 = arith.muli %add3A, %mul3A_1 : i32
    "tpu.region"() ({
      %run_scoped3A = tpu.sem_alloc : memref<!tpu.dma_semaphore, #tpu.memory_space<semaphore_mem>>
      %dma_start3A_105 = tpu.memref_slice %arg2[%mul3A_2] : memref<819200xi32, #tpu.memory_space<hbm>> -> memref<25600xi32, #tpu.memory_space<hbm>>
      %dma_start3A_106 = tpu.memref_slice %arg2[%mul3A_2] : memref<819200xi32, #tpu.memory_space<hbm>> -> memref<25600xi32, #tpu.memory_space<hbm>>
      tpu.enqueue_dma source(%dma_start3A_106 : memref<25600xi32, #tpu.memory_space<hbm>>) target(%arg5 : memref<25600xi32, #tpu.memory_space<vmem>>) target_semaphore(%run_scoped3A : memref<!tpu.dma_semaphore, #tpu.memory_space<semaphore_mem>>)
      %dma_wait3A_107 = tpu.memref_slice %arg2[%mul3A_2] : memref<819200xi32, #tpu.memory_space<hbm>> -> memref<25600xi32, #tpu.memory_space<hbm>>
      %dma_wait3A_108 = tpu.memref_slice %arg2[%mul3A_2] : memref<819200xi32, #tpu.memory_space<hbm>> -> memref<25600xi32, #tpu.memory_space<hbm>>
      tpu.wait_dma2 semaphore(%run_scoped3A : memref<!tpu.dma_semaphore, #tpu.memory_space<semaphore_mem>>) src(%dma_wait3A_108 : memref<25600xi32, #tpu.memory_space<hbm>>) dst(%arg5 : memref<25600xi32, #tpu.memory_space<vmem>>)
      tpu.yield
    }) : () -> ()
    %dma_start3A = arith.constant 0 : i32
    %dma_start3A_3 = arith.constant 0 : i32
    %dma_start3A_4 = arith.constant 0 : i32
    %dma_start3A_5 = tpu.memref_slice %arg6[%dma_start3A, %dma_start3A_3, %dma_start3A_4] : memref<2x64x768xf32, #tpu.memory_space<vmem>> -> memref<1x64x768xf32, #tpu.memory_space<vmem>>
    %dma_start3A_6 = tpu.memref_squeeze %dma_start3A_5 : memref<1x64x768xf32, #tpu.memory_space<vmem>> -> memref<64x768xf32, #tpu.memory_space<vmem>>
    %dma_start3A_7 = arith.constant 0 : i32
    %dma_start3A_8 = tpu.memref_slice %arg5[%dma_start3A_7] : memref<25600xi32, #tpu.memory_space<vmem>> -> memref<64xi32, #tpu.memory_space<vmem>>
    %dma_start3A_9 = arith.constant 0 : i32
    %dma_start3A_10 = arith.constant 0 : i32
    %dma_start3A_11 = tpu.memref_slice %arg3[%dma_start3A_9, %dma_start3A_10] : memref<30522x768xf32, #tpu.memory_space<hbm>> -> memref<30522x768xf32, #tpu.memory_space<hbm>>
    tpu.enqueue_indirect_dma source(%dma_start3A_11 : memref<30522x768xf32, #tpu.memory_space<hbm>>) target(%dma_start3A_6 : memref<64x768xf32, #tpu.memory_space<vmem>>) offsets(%dma_start3A_8 : memref<64xi32, #tpu.memory_space<vmem>>) semaphore(%arg7 : memref<!tpu.dma_semaphore, #tpu.memory_space<semaphore_mem>>)
    %dma_wait3A = arith.constant 0 : i32
    %dma_wait3A_12 = arith.constant 0 : i32
    %dma_wait3A_13 = arith.constant 0 : i32
    %dma_wait3A_14 = tpu.memref_slice %arg6[%dma_wait3A, %dma_wait3A_12, %dma_wait3A_13] : memref<2x64x768xf32, #tpu.memory_space<vmem>> -> memref<1x64x768xf32, #tpu.memory_space<vmem>>
    %dma_wait3A_15 = tpu.memref_squeeze %dma_wait3A_14 : memref<1x64x768xf32, #tpu.memory_space<vmem>> -> memref<64x768xf32, #tpu.memory_space<vmem>>
    %dma_wait3A_16 = arith.constant 0 : i32
    %dma_wait3A_17 = tpu.memref_slice %arg5[%dma_wait3A_16] : memref<25600xi32, #tpu.memory_space<vmem>> -> memref<64xi32, #tpu.memory_space<vmem>>
    %dma_wait3A_18 = arith.constant 0 : i32
    %dma_wait3A_19 = arith.constant 0 : i32
    %dma_wait3A_20 = tpu.memref_slice %arg3[%dma_wait3A_18, %dma_wait3A_19] : memref<30522x768xf32, #tpu.memory_space<hbm>> -> memref<30522x768xf32, #tpu.memory_space<hbm>>
    tpu.wait_indirect_dma semaphore(%arg7 : memref<!tpu.dma_semaphore, #tpu.memory_space<semaphore_mem>>) src(%dma_wait3A_20 : memref<30522x768xf32, #tpu.memory_space<hbm>>) dst(%dma_wait3A_15 : memref<64x768xf32, #tpu.memory_space<vmem>>)
    %add3A_21 = arith.constant 0 : i32
    %add3A_22 = arith.addi %mul3A_2, %add3A_21 : i32
    %dma_start3A_23 = arith.constant 0 : i32
    %dma_start3A_24 = arith.constant 0 : i32
    %dma_start3A_25 = arith.constant 0 : i32
    %dma_start3A_26 = tpu.memref_slice %arg6[%dma_start3A_23, %dma_start3A_24, %dma_start3A_25] : memref<2x64x768xf32, #tpu.memory_space<vmem>> -> memref<1x64x768xf32, #tpu.memory_space<vmem>>
    %dma_start3A_27 = tpu.memref_squeeze %dma_start3A_26 : memref<1x64x768xf32, #tpu.memory_space<vmem>> -> memref<64x768xf32, #tpu.memory_space<vmem>>
    %dma_start3A_28 = arith.constant 0 : i32
    %dma_start3A_29 = tpu.memref_slice %arg4[%add3A_22, %dma_start3A_28] : memref<819200x768xf32, #tpu.memory_space<hbm>> -> memref<64x768xf32, #tpu.memory_space<hbm>>
    %dma_start3A_30 = arith.constant 0 : i32
    %dma_start3A_31 = tpu.memref_slice %arg4[%add3A_22, %dma_start3A_30] : memref<819200x768xf32, #tpu.memory_space<hbm>> -> memref<64x768xf32, #tpu.memory_space<hbm>>
    %dma_start3A_32 = arith.constant 0 : i32
    %dma_start3A_33 = arith.constant 0 : i32
    %dma_start3A_34 = tpu.memref_slice %arg6[%dma_start3A_23, %dma_start3A_32, %dma_start3A_33] : memref<2x64x768xf32, #tpu.memory_space<vmem>> -> memref<1x64x768xf32, #tpu.memory_space<vmem>>
    %dma_start3A_35 = tpu.memref_squeeze %dma_start3A_34 : memref<1x64x768xf32, #tpu.memory_space<vmem>> -> memref<64x768xf32, #tpu.memory_space<vmem>>
    tpu.enqueue_dma source(%dma_start3A_35 : memref<64x768xf32, #tpu.memory_space<vmem>>) target(%dma_start3A_31 : memref<64x768xf32, #tpu.memory_space<hbm>>) target_semaphore(%arg9 : memref<!tpu.dma_semaphore, #tpu.memory_space<semaphore_mem>>)
    %dma_start3A_36 = arith.constant 1 : i32
    %dma_start3A_37 = arith.constant 0 : i32
    %dma_start3A_38 = arith.constant 0 : i32
    %dma_start3A_39 = tpu.memref_slice %arg6[%dma_start3A_36, %dma_start3A_37, %dma_start3A_38] : memref<2x64x768xf32, #tpu.memory_space<vmem>> -> memref<1x64x768xf32, #tpu.memory_space<vmem>>
    %dma_start3A_40 = tpu.memref_squeeze %dma_start3A_39 : memref<1x64x768xf32, #tpu.memory_space<vmem>> -> memref<64x768xf32, #tpu.memory_space<vmem>>
    %dma_start3A_41 = arith.constant 64 : i32
    %dma_start3A_42 = tpu.memref_slice %arg5[%dma_start3A_41] : memref<25600xi32, #tpu.memory_space<vmem>> -> memref<64xi32, #tpu.memory_space<vmem>>
    %dma_start3A_43 = arith.constant 0 : i32
    %dma_start3A_44 = arith.constant 0 : i32
    %dma_start3A_45 = tpu.memref_slice %arg3[%dma_start3A_43, %dma_start3A_44] : memref<30522x768xf32, #tpu.memory_space<hbm>> -> memref<30522x768xf32, #tpu.memory_space<hbm>>
    tpu.enqueue_indirect_dma source(%dma_start3A_45 : memref<30522x768xf32, #tpu.memory_space<hbm>>) target(%dma_start3A_40 : memref<64x768xf32, #tpu.memory_space<vmem>>) offsets(%dma_start3A_42 : memref<64xi32, #tpu.memory_space<vmem>>) semaphore(%arg8 : memref<!tpu.dma_semaphore, #tpu.memory_space<semaphore_mem>>)
    %scan3A = arith.constant 0 : i32
    %scan3A_46 = arith.constant 199 : i32
    %scan3A_47 = arith.addi %scan3A, %scan3A_46 : i32
    %scan3A_48 = arith.constant 1 : i32
    scf.for %scan3A_105 = %scan3A to %scan3A_47 step %scan3A_48  : i32 {
      %mul3A_106 = arith.constant 1 : i32
      %mul3A_107 = arith.muli %scan3A_105, %mul3A_106 : i32
      %add3A_108 = arith.constant 0 : i32
      %add3A_109 = arith.addi %add3A_108, %mul3A_107 : i32
      %mul3A_110 = arith.constant 2 : i32
      %mul3A_111 = arith.muli %add3A_109, %mul3A_110 : i32
      %add3A_112 = arith.constant 1 : i32
      %add3A_113 = arith.addi %mul3A_111, %add3A_112 : i32
      %add3A_114 = arith.constant 0 : i32
      %add3A_115 = arith.addi %add3A_113, %add3A_114 : i32
      %mul3A_116 = arith.constant 64 : i32
      %mul3A_117 = arith.muli %add3A_115, %mul3A_116 : i32
      %dma_wait3A_118 = arith.constant 1 : i32
      %dma_wait3A_119 = arith.constant 0 : i32
      %dma_wait3A_120 = arith.constant 0 : i32
      %dma_wait3A_121 = tpu.memref_slice %arg6[%dma_wait3A_118, %dma_wait3A_119, %dma_wait3A_120] : memref<2x64x768xf32, #tpu.memory_space<vmem>> -> memref<1x64x768xf32, #tpu.memory_space<vmem>>
      %dma_wait3A_122 = tpu.memref_squeeze %dma_wait3A_121 : memref<1x64x768xf32, #tpu.memory_space<vmem>> -> memref<64x768xf32, #tpu.memory_space<vmem>>
      %dma_wait3A_123 = tpu.memref_slice %arg5[%mul3A_117] : memref<25600xi32, #tpu.memory_space<vmem>> -> memref<64xi32, #tpu.memory_space<vmem>>
      %dma_wait3A_124 = arith.constant 0 : i32
      %dma_wait3A_125 = arith.constant 0 : i32
      %dma_wait3A_126 = tpu.memref_slice %arg3[%dma_wait3A_124, %dma_wait3A_125] : memref<30522x768xf32, #tpu.memory_space<hbm>> -> memref<30522x768xf32, #tpu.memory_space<hbm>>
      tpu.wait_indirect_dma semaphore(%arg8 : memref<!tpu.dma_semaphore, #tpu.memory_space<semaphore_mem>>) src(%dma_wait3A_126 : memref<30522x768xf32, #tpu.memory_space<hbm>>) dst(%dma_wait3A_122 : memref<64x768xf32, #tpu.memory_space<vmem>>)
      %mul3A_127 = arith.constant 64 : i32
      %mul3A_128 = arith.muli %add3A_115, %mul3A_127 : i32
      %add3A_129 = arith.addi %mul3A_2, %mul3A_128 : i32
      %dma_start3A_130 = arith.constant 1 : i32
      %dma_start3A_131 = arith.constant 0 : i32
      %dma_start3A_132 = arith.constant 0 : i32
      %dma_start3A_133 = tpu.memref_slice %arg6[%dma_start3A_130, %dma_start3A_131, %dma_start3A_132] : memref<2x64x768xf32, #tpu.memory_space<vmem>> -> memref<1x64x768xf32, #tpu.memory_space<vmem>>
      %dma_start3A_134 = tpu.memref_squeeze %dma_start3A_133 : memref<1x64x768xf32, #tpu.memory_space<vmem>> -> memref<64x768xf32, #tpu.memory_space<vmem>>
      %dma_start3A_135 = arith.constant 0 : i32
      %dma_start3A_136 = tpu.memref_slice %arg4[%add3A_129, %dma_start3A_135] : memref<819200x768xf32, #tpu.memory_space<hbm>> -> memref<64x768xf32, #tpu.memory_space<hbm>>
      %dma_start3A_137 = arith.constant 0 : i32
      %dma_start3A_138 = tpu.memref_slice %arg4[%add3A_129, %dma_start3A_137] : memref<819200x768xf32, #tpu.memory_space<hbm>> -> memref<64x768xf32, #tpu.memory_space<hbm>>
      %dma_start3A_139 = arith.constant 0 : i32
      %dma_start3A_140 = arith.constant 0 : i32
      %dma_start3A_141 = tpu.memref_slice %arg6[%dma_start3A_130, %dma_start3A_139, %dma_start3A_140] : memref<2x64x768xf32, #tpu.memory_space<vmem>> -> memref<1x64x768xf32, #tpu.memory_space<vmem>>
      %dma_start3A_142 = tpu.memref_squeeze %dma_start3A_141 : memref<1x64x768xf32, #tpu.memory_space<vmem>> -> memref<64x768xf32, #tpu.memory_space<vmem>>
      tpu.enqueue_dma source(%dma_start3A_142 : memref<64x768xf32, #tpu.memory_space<vmem>>) target(%dma_start3A_138 : memref<64x768xf32, #tpu.memory_space<hbm>>) target_semaphore(%arg10 : memref<!tpu.dma_semaphore, #tpu.memory_space<semaphore_mem>>)
      %sub3A = arith.constant 1 : i32
      %sub3A_143 = arith.subi %add3A_115, %sub3A : i32
      %mul3A_144 = arith.constant 64 : i32
      %mul3A_145 = arith.muli %sub3A_143, %mul3A_144 : i32
      %add3A_146 = arith.addi %mul3A_2, %mul3A_145 : i32
      %dma_wait3A_147 = arith.constant 0 : i32
      %dma_wait3A_148 = arith.constant 0 : i32
      %dma_wait3A_149 = arith.constant 0 : i32
      %dma_wait3A_150 = tpu.memref_slice %arg6[%dma_wait3A_147, %dma_wait3A_148, %dma_wait3A_149] : memref<2x64x768xf32, #tpu.memory_space<vmem>> -> memref<1x64x768xf32, #tpu.memory_space<vmem>>
      %dma_wait3A_151 = tpu.memref_squeeze %dma_wait3A_150 : memref<1x64x768xf32, #tpu.memory_space<vmem>> -> memref<64x768xf32, #tpu.memory_space<vmem>>
      %dma_wait3A_152 = arith.constant 0 : i32
      %dma_wait3A_153 = tpu.memref_slice %arg4[%add3A_146, %dma_wait3A_152] : memref<819200x768xf32, #tpu.memory_space<hbm>> -> memref<64x768xf32, #tpu.memory_space<hbm>>
      %dma_wait3A_154 = arith.constant 0 : i32
      %dma_wait3A_155 = tpu.memref_slice %arg4[%add3A_146, %dma_wait3A_154] : memref<819200x768xf32, #tpu.memory_space<hbm>> -> memref<64x768xf32, #tpu.memory_space<hbm>>
      %dma_wait3A_156 = arith.constant 0 : i32
      %dma_wait3A_157 = arith.constant 0 : i32
      %dma_wait3A_158 = tpu.memref_slice %arg6[%dma_wait3A_147, %dma_wait3A_156, %dma_wait3A_157] : memref<2x64x768xf32, #tpu.memory_space<vmem>> -> memref<1x64x768xf32, #tpu.memory_space<vmem>>
      %dma_wait3A_159 = tpu.memref_squeeze %dma_wait3A_158 : memref<1x64x768xf32, #tpu.memory_space<vmem>> -> memref<64x768xf32, #tpu.memory_space<vmem>>
      tpu.wait_dma2 semaphore(%arg9 : memref<!tpu.dma_semaphore, #tpu.memory_space<semaphore_mem>>) src(%dma_wait3A_159 : memref<64x768xf32, #tpu.memory_space<vmem>>) dst(%dma_wait3A_155 : memref<64x768xf32, #tpu.memory_space<hbm>>)
      %add3A_160 = arith.constant 2 : i32
      %add3A_161 = arith.addi %add3A_115, %add3A_160 : i32
      %sub3A_162 = arith.constant 1 : i32
      %sub3A_163 = arith.subi %add3A_161, %sub3A_162 : i32
      %mul3A_164 = arith.constant 64 : i32
      %mul3A_165 = arith.muli %sub3A_163, %mul3A_164 : i32
      %dma_start3A_166 = arith.constant 0 : i32
      %dma_start3A_167 = arith.constant 0 : i32
      %dma_start3A_168 = arith.constant 0 : i32
      %dma_start3A_169 = tpu.memref_slice %arg6[%dma_start3A_166, %dma_start3A_167, %dma_start3A_168] : memref<2x64x768xf32, #tpu.memory_space<vmem>> -> memref<1x64x768xf32, #tpu.memory_space<vmem>>
      %dma_start3A_170 = tpu.memref_squeeze %dma_start3A_169 : memref<1x64x768xf32, #tpu.memory_space<vmem>> -> memref<64x768xf32, #tpu.memory_space<vmem>>
      %dma_start3A_171 = tpu.memref_slice %arg5[%mul3A_165] : memref<25600xi32, #tpu.memory_space<vmem>> -> memref<64xi32, #tpu.memory_space<vmem>>
      %dma_start3A_172 = arith.constant 0 : i32
      %dma_start3A_173 = arith.constant 0 : i32
      %dma_start3A_174 = tpu.memref_slice %arg3[%dma_start3A_172, %dma_start3A_173] : memref<30522x768xf32, #tpu.memory_space<hbm>> -> memref<30522x768xf32, #tpu.memory_space<hbm>>
      tpu.enqueue_indirect_dma source(%dma_start3A_174 : memref<30522x768xf32, #tpu.memory_space<hbm>>) target(%dma_start3A_170 : memref<64x768xf32, #tpu.memory_space<vmem>>) offsets(%dma_start3A_171 : memref<64xi32, #tpu.memory_space<vmem>>) semaphore(%arg7 : memref<!tpu.dma_semaphore, #tpu.memory_space<semaphore_mem>>)
      %mul3A_175 = arith.constant 2 : i32
      %mul3A_176 = arith.muli %add3A_109, %mul3A_175 : i32
      %add3A_177 = arith.constant 1 : i32
      %add3A_178 = arith.addi %mul3A_176, %add3A_177 : i32
      %add3A_179 = arith.constant 1 : i32
      %add3A_180 = arith.addi %add3A_178, %add3A_179 : i32
      %mul3A_181 = arith.constant 64 : i32
      %mul3A_182 = arith.muli %add3A_180, %mul3A_181 : i32
      %dma_wait3A_183 = arith.constant 0 : i32
      %dma_wait3A_184 = arith.constant 0 : i32
      %dma_wait3A_185 = arith.constant 0 : i32
      %dma_wait3A_186 = tpu.memref_slice %arg6[%dma_wait3A_183, %dma_wait3A_184, %dma_wait3A_185] : memref<2x64x768xf32, #tpu.memory_space<vmem>> -> memref<1x64x768xf32, #tpu.memory_space<vmem>>
      %dma_wait3A_187 = tpu.memref_squeeze %dma_wait3A_186 : memref<1x64x768xf32, #tpu.memory_space<vmem>> -> memref<64x768xf32, #tpu.memory_space<vmem>>
      %dma_wait3A_188 = tpu.memref_slice %arg5[%mul3A_182] : memref<25600xi32, #tpu.memory_space<vmem>> -> memref<64xi32, #tpu.memory_space<vmem>>
      %dma_wait3A_189 = arith.constant 0 : i32
      %dma_wait3A_190 = arith.constant 0 : i32
      %dma_wait3A_191 = tpu.memref_slice %arg3[%dma_wait3A_189, %dma_wait3A_190] : memref<30522x768xf32, #tpu.memory_space<hbm>> -> memref<30522x768xf32, #tpu.memory_space<hbm>>
      tpu.wait_indirect_dma semaphore(%arg7 : memref<!tpu.dma_semaphore, #tpu.memory_space<semaphore_mem>>) src(%dma_wait3A_191 : memref<30522x768xf32, #tpu.memory_space<hbm>>) dst(%dma_wait3A_187 : memref<64x768xf32, #tpu.memory_space<vmem>>)
      %mul3A_192 = arith.constant 64 : i32
      %mul3A_193 = arith.muli %add3A_180, %mul3A_192 : i32
      %add3A_194 = arith.addi %mul3A_2, %mul3A_193 : i32
      %dma_start3A_195 = arith.constant 0 : i32
      %dma_start3A_196 = arith.constant 0 : i32
      %dma_start3A_197 = arith.constant 0 : i32
      %dma_start3A_198 = tpu.memref_slice %arg6[%dma_start3A_195, %dma_start3A_196, %dma_start3A_197] : memref<2x64x768xf32, #tpu.memory_space<vmem>> -> memref<1x64x768xf32, #tpu.memory_space<vmem>>
      %dma_start3A_199 = tpu.memref_squeeze %dma_start3A_198 : memref<1x64x768xf32, #tpu.memory_space<vmem>> -> memref<64x768xf32, #tpu.memory_space<vmem>>
      %dma_start3A_200 = arith.constant 0 : i32
      %dma_start3A_201 = tpu.memref_slice %arg4[%add3A_194, %dma_start3A_200] : memref<819200x768xf32, #tpu.memory_space<hbm>> -> memref<64x768xf32, #tpu.memory_space<hbm>>
      %dma_start3A_202 = arith.constant 0 : i32
      %dma_start3A_203 = tpu.memref_slice %arg4[%add3A_194, %dma_start3A_202] : memref<819200x768xf32, #tpu.memory_space<hbm>> -> memref<64x768xf32, #tpu.memory_space<hbm>>
      %dma_start3A_204 = arith.constant 0 : i32
      %dma_start3A_205 = arith.constant 0 : i32
      %dma_start3A_206 = tpu.memref_slice %arg6[%dma_start3A_195, %dma_start3A_204, %dma_start3A_205] : memref<2x64x768xf32, #tpu.memory_space<vmem>> -> memref<1x64x768xf32, #tpu.memory_space<vmem>>
      %dma_start3A_207 = tpu.memref_squeeze %dma_start3A_206 : memref<1x64x768xf32, #tpu.memory_space<vmem>> -> memref<64x768xf32, #tpu.memory_space<vmem>>
      tpu.enqueue_dma source(%dma_start3A_207 : memref<64x768xf32, #tpu.memory_space<vmem>>) target(%dma_start3A_203 : memref<64x768xf32, #tpu.memory_space<hbm>>) target_semaphore(%arg9 : memref<!tpu.dma_semaphore, #tpu.memory_space<semaphore_mem>>)
      %sub3A_208 = arith.constant 1 : i32
      %sub3A_209 = arith.subi %add3A_180, %sub3A_208 : i32
      %mul3A_210 = arith.constant 64 : i32
      %mul3A_211 = arith.muli %sub3A_209, %mul3A_210 : i32
      %add3A_212 = arith.addi %mul3A_2, %mul3A_211 : i32
      %dma_wait3A_213 = arith.constant 1 : i32
      %dma_wait3A_214 = arith.constant 0 : i32
      %dma_wait3A_215 = arith.constant 0 : i32
      %dma_wait3A_216 = tpu.memref_slice %arg6[%dma_wait3A_213, %dma_wait3A_214, %dma_wait3A_215] : memref<2x64x768xf32, #tpu.memory_space<vmem>> -> memref<1x64x768xf32, #tpu.memory_space<vmem>>
      %dma_wait3A_217 = tpu.memref_squeeze %dma_wait3A_216 : memref<1x64x768xf32, #tpu.memory_space<vmem>> -> memref<64x768xf32, #tpu.memory_space<vmem>>
      %dma_wait3A_218 = arith.constant 0 : i32
      %dma_wait3A_219 = tpu.memref_slice %arg4[%add3A_212, %dma_wait3A_218] : memref<819200x768xf32, #tpu.memory_space<hbm>> -> memref<64x768xf32, #tpu.memory_space<hbm>>
      %dma_wait3A_220 = arith.constant 0 : i32
      %dma_wait3A_221 = tpu.memref_slice %arg4[%add3A_212, %dma_wait3A_220] : memref<819200x768xf32, #tpu.memory_space<hbm>> -> memref<64x768xf32, #tpu.memory_space<hbm>>
      %dma_wait3A_222 = arith.constant 0 : i32
      %dma_wait3A_223 = arith.constant 0 : i32
      %dma_wait3A_224 = tpu.memref_slice %arg6[%dma_wait3A_213, %dma_wait3A_222, %dma_wait3A_223] : memref<2x64x768xf32, #tpu.memory_space<vmem>> -> memref<1x64x768xf32, #tpu.memory_space<vmem>>
      %dma_wait3A_225 = tpu.memref_squeeze %dma_wait3A_224 : memref<1x64x768xf32, #tpu.memory_space<vmem>> -> memref<64x768xf32, #tpu.memory_space<vmem>>
      tpu.wait_dma2 semaphore(%arg10 : memref<!tpu.dma_semaphore, #tpu.memory_space<semaphore_mem>>) src(%dma_wait3A_225 : memref<64x768xf32, #tpu.memory_space<vmem>>) dst(%dma_wait3A_221 : memref<64x768xf32, #tpu.memory_space<hbm>>)
      %add3A_226 = arith.constant 2 : i32
      %add3A_227 = arith.addi %add3A_180, %add3A_226 : i32
      %sub3A_228 = arith.constant 1 : i32
      %sub3A_229 = arith.subi %add3A_227, %sub3A_228 : i32
      %mul3A_230 = arith.constant 64 : i32
      %mul3A_231 = arith.muli %sub3A_229, %mul3A_230 : i32
      %dma_start3A_232 = arith.constant 1 : i32
      %dma_start3A_233 = arith.constant 0 : i32
      %dma_start3A_234 = arith.constant 0 : i32
      %dma_start3A_235 = tpu.memref_slice %arg6[%dma_start3A_232, %dma_start3A_233, %dma_start3A_234] : memref<2x64x768xf32, #tpu.memory_space<vmem>> -> memref<1x64x768xf32, #tpu.memory_space<vmem>>
      %dma_start3A_236 = tpu.memref_squeeze %dma_start3A_235 : memref<1x64x768xf32, #tpu.memory_space<vmem>> -> memref<64x768xf32, #tpu.memory_space<vmem>>
      %dma_start3A_237 = tpu.memref_slice %arg5[%mul3A_231] : memref<25600xi32, #tpu.memory_space<vmem>> -> memref<64xi32, #tpu.memory_space<vmem>>
      %dma_start3A_238 = arith.constant 0 : i32
      %dma_start3A_239 = arith.constant 0 : i32
      %dma_start3A_240 = tpu.memref_slice %arg3[%dma_start3A_238, %dma_start3A_239] : memref<30522x768xf32, #tpu.memory_space<hbm>> -> memref<30522x768xf32, #tpu.memory_space<hbm>>
      tpu.enqueue_indirect_dma source(%dma_start3A_240 : memref<30522x768xf32, #tpu.memory_space<hbm>>) target(%dma_start3A_236 : memref<64x768xf32, #tpu.memory_space<vmem>>) offsets(%dma_start3A_237 : memref<64xi32, #tpu.memory_space<vmem>>) semaphore(%arg8 : memref<!tpu.dma_semaphore, #tpu.memory_space<semaphore_mem>>)
    }
    %scan3A_49 = arith.constant 199 : i32
    %dma_wait3A_50 = arith.constant 1 : i32
    %dma_wait3A_51 = arith.constant 0 : i32
    %dma_wait3A_52 = arith.constant 0 : i32
    %dma_wait3A_53 = tpu.memref_slice %arg6[%dma_wait3A_50, %dma_wait3A_51, %dma_wait3A_52] : memref<2x64x768xf32, #tpu.memory_space<vmem>> -> memref<1x64x768xf32, #tpu.memory_space<vmem>>
    %dma_wait3A_54 = tpu.memref_squeeze %dma_wait3A_53 : memref<1x64x768xf32, #tpu.memory_space<vmem>> -> memref<64x768xf32, #tpu.memory_space<vmem>>
    %dma_wait3A_55 = arith.constant 25536 : i32
    %dma_wait3A_56 = tpu.memref_slice %arg5[%dma_wait3A_55] : memref<25600xi32, #tpu.memory_space<vmem>> -> memref<64xi32, #tpu.memory_space<vmem>>
    %dma_wait3A_57 = arith.constant 0 : i32
    %dma_wait3A_58 = arith.constant 0 : i32
    %dma_wait3A_59 = tpu.memref_slice %arg3[%dma_wait3A_57, %dma_wait3A_58] : memref<30522x768xf32, #tpu.memory_space<hbm>> -> memref<30522x768xf32, #tpu.memory_space<hbm>>
    tpu.wait_indirect_dma semaphore(%arg8 : memref<!tpu.dma_semaphore, #tpu.memory_space<semaphore_mem>>) src(%dma_wait3A_59 : memref<30522x768xf32, #tpu.memory_space<hbm>>) dst(%dma_wait3A_54 : memref<64x768xf32, #tpu.memory_space<vmem>>)
    %add3A_60 = arith.constant 25536 : i32
    %add3A_61 = arith.addi %mul3A_2, %add3A_60 : i32
    %dma_start3A_62 = arith.constant 1 : i32
    %dma_start3A_63 = arith.constant 0 : i32
    %dma_start3A_64 = arith.constant 0 : i32
    %dma_start3A_65 = tpu.memref_slice %arg6[%dma_start3A_62, %dma_start3A_63, %dma_start3A_64] : memref<2x64x768xf32, #tpu.memory_space<vmem>> -> memref<1x64x768xf32, #tpu.memory_space<vmem>>
    %dma_start3A_66 = tpu.memref_squeeze %dma_start3A_65 : memref<1x64x768xf32, #tpu.memory_space<vmem>> -> memref<64x768xf32, #tpu.memory_space<vmem>>
    %dma_start3A_67 = arith.constant 0 : i32
    %dma_start3A_68 = tpu.memref_slice %arg4[%add3A_61, %dma_start3A_67] : memref<819200x768xf32, #tpu.memory_space<hbm>> -> memref<64x768xf32, #tpu.memory_space<hbm>>
    %dma_start3A_69 = arith.constant 0 : i32
    %dma_start3A_70 = tpu.memref_slice %arg4[%add3A_61, %dma_start3A_69] : memref<819200x768xf32, #tpu.memory_space<hbm>> -> memref<64x768xf32, #tpu.memory_space<hbm>>
    %dma_start3A_71 = arith.constant 0 : i32
    %dma_start3A_72 = arith.constant 0 : i32
    %dma_start3A_73 = tpu.memref_slice %arg6[%dma_start3A_62, %dma_start3A_71, %dma_start3A_72] : memref<2x64x768xf32, #tpu.memory_space<vmem>> -> memref<1x64x768xf32, #tpu.memory_space<vmem>>
    %dma_start3A_74 = tpu.memref_squeeze %dma_start3A_73 : memref<1x64x768xf32, #tpu.memory_space<vmem>> -> memref<64x768xf32, #tpu.memory_space<vmem>>
    tpu.enqueue_dma source(%dma_start3A_74 : memref<64x768xf32, #tpu.memory_space<vmem>>) target(%dma_start3A_70 : memref<64x768xf32, #tpu.memory_space<hbm>>) target_semaphore(%arg10 : memref<!tpu.dma_semaphore, #tpu.memory_space<semaphore_mem>>)
    %add3A_75 = arith.constant 25472 : i32
    %add3A_76 = arith.addi %mul3A_2, %add3A_75 : i32
    %dma_wait3A_77 = arith.constant 0 : i32
    %dma_wait3A_78 = arith.constant 0 : i32
    %dma_wait3A_79 = arith.constant 0 : i32
    %dma_wait3A_80 = tpu.memref_slice %arg6[%dma_wait3A_77, %dma_wait3A_78, %dma_wait3A_79] : memref<2x64x768xf32, #tpu.memory_space<vmem>> -> memref<1x64x768xf32, #tpu.memory_space<vmem>>
    %dma_wait3A_81 = tpu.memref_squeeze %dma_wait3A_80 : memref<1x64x768xf32, #tpu.memory_space<vmem>> -> memref<64x768xf32, #tpu.memory_space<vmem>>
    %dma_wait3A_82 = arith.constant 0 : i32
    %dma_wait3A_83 = tpu.memref_slice %arg4[%add3A_76, %dma_wait3A_82] : memref<819200x768xf32, #tpu.memory_space<hbm>> -> memref<64x768xf32, #tpu.memory_space<hbm>>
    %dma_wait3A_84 = arith.constant 0 : i32
    %dma_wait3A_85 = tpu.memref_slice %arg4[%add3A_76, %dma_wait3A_84] : memref<819200x768xf32, #tpu.memory_space<hbm>> -> memref<64x768xf32, #tpu.memory_space<hbm>>
    %dma_wait3A_86 = arith.constant 0 : i32
    %dma_wait3A_87 = arith.constant 0 : i32
    %dma_wait3A_88 = tpu.memref_slice %arg6[%dma_wait3A_77, %dma_wait3A_86, %dma_wait3A_87] : memref<2x64x768xf32, #tpu.memory_space<vmem>> -> memref<1x64x768xf32, #tpu.memory_space<vmem>>
    %dma_wait3A_89 = tpu.memref_squeeze %dma_wait3A_88 : memref<1x64x768xf32, #tpu.memory_space<vmem>> -> memref<64x768xf32, #tpu.memory_space<vmem>>
    tpu.wait_dma2 semaphore(%arg9 : memref<!tpu.dma_semaphore, #tpu.memory_space<semaphore_mem>>) src(%dma_wait3A_89 : memref<64x768xf32, #tpu.memory_space<vmem>>) dst(%dma_wait3A_85 : memref<64x768xf32, #tpu.memory_space<hbm>>)
    %add3A_90 = arith.constant 25536 : i32
    %add3A_91 = arith.addi %mul3A_2, %add3A_90 : i32
    %dma_wait3A_92 = arith.constant 1 : i32
    %dma_wait3A_93 = arith.constant 0 : i32
    %dma_wait3A_94 = arith.constant 0 : i32
    %dma_wait3A_95 = tpu.memref_slice %arg6[%dma_wait3A_92, %dma_wait3A_93, %dma_wait3A_94] : memref<2x64x768xf32, #tpu.memory_space<vmem>> -> memref<1x64x768xf32, #tpu.memory_space<vmem>>
    %dma_wait3A_96 = tpu.memref_squeeze %dma_wait3A_95 : memref<1x64x768xf32, #tpu.memory_space<vmem>> -> memref<64x768xf32, #tpu.memory_space<vmem>>
    %dma_wait3A_97 = arith.constant 0 : i32
    %dma_wait3A_98 = tpu.memref_slice %arg4[%add3A_91, %dma_wait3A_97] : memref<819200x768xf32, #tpu.memory_space<hbm>> -> memref<64x768xf32, #tpu.memory_space<hbm>>
    %dma_wait3A_99 = arith.constant 0 : i32
    %dma_wait3A_100 = tpu.memref_slice %arg4[%add3A_91, %dma_wait3A_99] : memref<819200x768xf32, #tpu.memory_space<hbm>> -> memref<64x768xf32, #tpu.memory_space<hbm>>
    %dma_wait3A_101 = arith.constant 0 : i32
    %dma_wait3A_102 = arith.constant 0 : i32
    %dma_wait3A_103 = tpu.memref_slice %arg6[%dma_wait3A_92, %dma_wait3A_101, %dma_wait3A_102] : memref<2x64x768xf32, #tpu.memory_space<vmem>> -> memref<1x64x768xf32, #tpu.memory_space<vmem>>
    %dma_wait3A_104 = tpu.memref_squeeze %dma_wait3A_103 : memref<1x64x768xf32, #tpu.memory_space<vmem>> -> memref<64x768xf32, #tpu.memory_space<vmem>>
    tpu.wait_dma2 semaphore(%arg10 : memref<!tpu.dma_semaphore, #tpu.memory_space<semaphore_mem>>) src(%dma_wait3A_104 : memref<64x768xf32, #tpu.memory_space<vmem>>) dst(%dma_wait3A_100 : memref<64x768xf32, #tpu.memory_space<hbm>>)
    return
  }
}

</mosaic_0001>

<sc_bundles>
// kernel: kernel.3.cloned.1.call-start
scs
__scs_entry_jumppad:
0x0: {  	(pc) =	sbr.rel $0x88, $3  }
0x1: {  	(tag) =	ssettag $0x0;
	lr =	simm.s32 $0x1  }
0x2: {  	[smem:$0x3F9F] =	sst lr;
	_ =	strace $0xD0000000  }
0x3: {  	_ = 	snop  }
0x4: {  	_ = 	snop  }
0x5: {  	_ = 	snop  }
0x6: {  	_ = 	snop  }
0x7: {  	_ = 	snop  }
__scs_overlays_trampoline_lowered:
0x8: {  	[smem:$0x3FAE] =	sst s0  }
0x9: {  	[smem:$0x3FAF] =	sst s1  }
0xa: {  	[smem:$0x3FB0] =	sst s2  }
0xb: {  	[smem:$0x3FB1] =	sst s3  }
0xc: {  	[smem:$0x3FB2] =	sst s4  }
0xd: {  	[smem:$0x3FB3] =	sst s5  }
0xe: {  	[smem:$0x3FB4] =	sst s6  }
0xf: {  	[smem:$0x3FB5] =	sst s7  }
0x10: {  	[smem:$0x3FB6] =	sst s8  }
0x11: {  	[smem:$0x3FB7] =	sst s9;
	s0 =	simm.s32 @!p0 $0x0  }
0x12: {  	s1 =	sld [smem:$0x3F9D];
	s0 =	simm.s32 @p0 $0x1  }
0x13: {  	[smem:$0x3FB8] =	sst s0;
	s0 =	simm.s32 @!p1 $0x0  }
0x14: {  	s2 =	sld [smem:$0x3F9C];
	s0 =	simm.s32 @p1 $0x1  }
0x15: {  	[smem:$0x3FB9] =	sst s0;
	s0 =	simm.s32 @!p2 $0x0  }
0x16: {  	s3 =	sld [smem:$0x3FDB];
	s0 =	simm.s32 @p2 $0x1  }
0x17: {  	s4 =	simm.s32 $0x1BF5;
	[smem:$0x3FBB] =	sst s0  }
0x18: {  	s0 =	sld [smem:$0x3F9E];
	_ =	swait.ge [sflag:s4], $0x0  }
0x19: {  	s7 =	sld [smem:$0x3F9F]  }
0x1a: {  	s8 =	sadd.s32 $0xFFFFE003, lr  }
0x1b: {  	s9 =	sadd.s32 $0xFFFFFEF7, lr;
	s5 =	simm.s32 $0xFFFFFFFF;
	p2 =	slt.u32 s8, $0xFFFFF086  }
0x1c: {  	p1 =	slt.u32 s9, $0xF7A;
	s5 =	simm.s32 @!p2 $0x0  }
0x1d: {  	s5 =	simm.s32 @p1 $0x1;
	p0 =	seq.s32 s7, s2  }
0x1e: {  	s7 =	smul.u32 @!p0 $0xF7A, s2;
	p2 =	seq.s32 @!p0 s5, $0x0  }
0x1f: {  	s9 =	smul.u32 $0xF7A, s1;
	s8 =	simm.s32 @!p0 $0x1BF5;
	p2 =	por !p2, p0  }
0x20: {  	[sflag:s8] =	ssyncset.s32 @!p0 $0xFFFFF086;
	s6 =	sadd.s32 @!p0 s3, s7;
	s7 =	simm.s32 @!p0 $0x108  }
0x21: {  	s3 =	sadd.s32 s3, s9;
	s6 =	sadd.s32 @!p0 $0x88, s6;
	s7 =	simm.s32 @p2 $0x1082  }
0x22: {  	[simem:s7], [sflag:s8] =	dma.local @!p0 [hbm:s6], $0xF7A  }
0x23: {  	s9 =	sor.u32 $0xD0000000, s2;
	s6 =	simm.s32 $0x108;
	_ =	swait.ge @!p0 [sflag:s8], $0x0  }
0x24: {  	s3 =	sadd.s32 $0x88, s3;
	s6 =	simm.s32 @!p1 $0x1082;
	[sflag:s4] =	ssyncset.s32 $0xFFFFF086  }
0x25: {  	[simem:s6], [sflag:s4] =	dma.local [hbm:s3], $0xF7A  }
0x26: {  	[smem:$0x3F9F] =	sst s1;
	(tag) =	ssettag s2;
	_ =	strace s9  }
0x27: {  	s1 =	sld [smem:$0x3FAF]  }
0x28: {  	s2 =	sld [smem:$0x3FB0]  }
0x29: {  	s4 =	sld [smem:$0x3FB2]  }
0x2a: {  	p0 =	seq.s32 s5, $0x0;
	s5 =	sld [smem:$0x3FB3]  }
0x2b: {  	s6 =	sld [smem:$0x3FB4]  }
0x2c: {  	s7 =	sld [smem:$0x3FB5]  }
0x2d: {  	s3 =	simm.s32 $0x108;
	s8 =	sld [smem:$0x3FB6]  }
0x2e: {  	s3 =	simm.s32 @!p0 $0x1082;
	s9 =	sld [smem:$0x3FB7]  }
0x2f: {  	lr =	sadd.s32 s0, s3;
	s0 =	sld [smem:$0x3FAE]  }
0x30: {  	s3 =	sld [smem:$0x3FB1]  }
0x31: {  	[smem:$0x3FBA] =	sst s10  }
0x32: {  	s10 =	sld [smem:$0x3FB8];
	_ =	sdelay $0x3  }
0x33: {  	p0 =	seq.s32 s10, $0x1;
	s10 =	sld [smem:$0x3FBA];
	_ =	sdelay $0x3  }
0x34: {  	[smem:$0x3FBA] =	sst s10  }
0x35: {  	s10 =	sld [smem:$0x3FB9];
	_ =	sdelay $0x3  }
0x36: {  	p1 =	seq.s32 s10, $0x1;
	s10 =	sld [smem:$0x3FBA];
	_ =	sdelay $0x3  }
0x37: {  	[smem:$0x3FBA] =	sst s10  }
0x38: {  	s10 =	sld [smem:$0x3FBB]  }
0x39: {  	_ = 	snop;
	(pc) =	sbr.ind lr, $3  }
0x3a: {  	_ = 	snop  }
0x3b: {  	_ = 	snop  }
0x3c: {  	p2 =	seq.s32 s10, $0x1;
	s10 =	sld [smem:$0x3FBA]  }
0x3d: {  	_ =	shalt  }
0x3e: {  	_ =	shalt  }
0x3f: {  	_ =	shalt  }
0x40: {  	_ =	shalt  }
0x41: {  	_ =	shalt  }
0x42: {  	_ =	shalt  }
0x43: {  	_ =	shalt  }
0x44: {  	_ =	shalt  }
0x45: {  	_ =	shalt  }
0x46: {  	_ =	shalt  }
0x47: {  	_ =	shalt  }
0x48: {  	_ =	shalt  }
0x49: {  	_ =	shalt  }
0x4a: {  	_ =	shalt  }
0x4b: {  	_ =	shalt  }
0x4c: {  	_ =	shalt  }
0x4d: {  	_ =	shalt  }
0x4e: {  	_ =	shalt  }
0x4f: {  	_ =	shalt  }
0x50: {  	_ =	shalt  }
0x51: {  	_ =	shalt  }
0x52: {  	_ =	shalt  }
0x53: {  	_ =	shalt  }
0x54: {  	_ =	shalt  }
0x55: {  	_ =	shalt  }
0x56: {  	_ =	shalt  }
0x57: {  	_ =	shalt  }
0x58: {  	_ =	shalt  }
0x59: {  	_ =	shalt  }
0x5a: {  	_ =	shalt  }
0x5b: {  	_ =	shalt  }
0x5c: {  	_ =	shalt  }
0x5d: {  	_ =	shalt  }
0x5e: {  	_ =	shalt  }
0x5f: {  	_ =	shalt  }
0x60: {  	_ =	shalt  }
0x61: {  	_ =	shalt  }
0x62: {  	_ =	shalt  }
0x63: {  	_ =	shalt  }
0x64: {  	_ =	shalt  }
0x65: {  	_ =	shalt  }
0x66: {  	_ =	shalt  }
0x67: {  	_ =	shalt  }
0x68: {  	_ =	shalt  }
0x69: {  	_ =	shalt  }
0x6a: {  	_ =	shalt  }
0x6b: {  	_ =	shalt  }
0x6c: {  	_ =	shalt  }
0x6d: {  	_ =	shalt  }
0x6e: {  	_ =	shalt  }
0x6f: {  	_ =	shalt  }
0x70: {  	_ =	shalt  }
0x71: {  	_ =	shalt  }
0x72: {  	_ =	shalt  }
0x73: {  	_ =	shalt  }
0x74: {  	_ =	shalt  }
0x75: {  	_ =	shalt  }
0x76: {  	_ =	shalt  }
0x77: {  	_ =	shalt  }
0x78: {  	_ =	shalt  }
0x79: {  	_ =	shalt  }
0x7a: {  	_ =	shalt  }
0x7b: {  	_ =	shalt  }
0x7c: {  	_ =	shalt  }
0x7d: {  	_ =	shalt  }
0x7e: {  	_ =	shalt  }
0x7f: {  	_ =	shalt  }
0x80: {  	_ =	shalt  }
0x81: {  	_ =	shalt  }
0x82: {  	_ =	shalt  }
0x83: {  	_ =	shalt  }
0x84: {  	_ =	shalt  }
0x85: {  	_ =	shalt  }
0x86: {  	_ =	shalt  }
0x87: {  	_ =	shalt  }
.Lfunc_end0:
.L_simem_size_0:
called_computation_lowered:
.L_overlay_start_0:
0x88: {  	s2 =	sld [smem:$0x3FD9]  }
0x89: {  	s3 =	sld [smem:$0x3FFE];
	_ =	sdelay $0x1  }
0x8a: {  	s1 =	srdreg.scid  }
0x8b: {  	s0 =	sand.u32 $0x1, s1  }
0x8c: {  	s17 =	sshll.u32 s0, $0xA;
	s2 =	sadd.s32 s3, s2  }
0x8d: {  	s2 =	sadd.s32 s2, s17  }
0x8e: {  	[smem:$0x3FC6] =	sst s2  }
0x8f: {  	_ = 	snop  }
0x90: {  	s2 =	sld [smem:$0x3FC8]  }
0x91: {  	s18 =	sld [smem:$0x3FD0];
	(tm) =	ssettm $0x1  }
0x92: {  	s4 =	sld [smem:$0x3FFB];
	_ =	sdelay $0x3  }
0x93: {  	_ =	strace s4  }
0x94: {  	s4 =	sld [smem:$0x3FFC];
	_ =	sdelay $0x3  }
0x95: {  	_ =	strace s4  }
0x96: {  	s4 =	sld [smem:$0x3FFD];
	_ =	sdelay $0x3  }
0x97: {  	_ =	strace s4  }
0x98: {  	_ =	strace $0x8FFFFFFF  }
0x99: {  	s19 =	sld [smem:$0x3FDB];
	_ =	sdelay $0x1  }
0x9a: {  	s5 =	simm.s32 $_scs_section_size  }
0x9b: {  	s6 =	simm.s32 $_size__tile_overlayer_lowered;
	s7 =	simm.s32 $_tile_overlayer_lowered  }
0x9c: {  	s22 =	simm.s32 $0x1BFF;
	s21 =	sshll.u32 s7, $0x1;
	s4 =	sadd.s32 s5, s19  }
0x9d: {  	s8 =	simm.s32 $0x0;
	s20 =	sshll.u32 s6, $0x1;
	s6 =	sadd.s32 s21, s4  }
0x9e: {  	[timem:s8], [sflag:s22] =	dma.local [hbm:s6], s20  }
0x9f: {  	_ =	swait.ge [sflag:s22], s20  }
0xa0: {  	s5 =	ssub.s32 $0x0, s20;
	[sflag:s22] =	ssyncset.done $0x0  }
0xa1: {  	[sflag:s22] =	ssyncadd.s32 s5;
	_ =	sdelay $0x1  }
0xa2: {  	s23 =	simm.s32 $0x1B8B  }
0xa3: {  	_ =	swait.ge [sflag:s23], $0x1  }
0xa4: {  	[sflag:s23] =	ssyncset.done $0x0  }
0xa5: {  	s25 =	simm.s32 $0x1B8E;
	s24 =	sld [smem:$0x3FFE];
	[sflag:s23] =	ssyncadd.s32 $0xFFFFFFFF  }
0xa6: {  	s26 =	simm.s32 $execute0_lowered;
	[smem:$0x3FD2] =	sst s25  }
0xa7: {  	s6 =	sshll.u32 s26, $0x1;
	_ =	strace $0x80000046;
	[dreg:$0x1] =	wrdreg $0xFFFFFFFF  }
0xa8: {  	s28 =	simm.s32 $_size_execute0_lowered;
	s4 =	sadd.s32 s4, s6;
	[dreg:$0x0] =	wrdreg $0x0  }
0xa9: {  	s6 =	sshll.u32 s28, $0x1;
	[dreg:$0x2] =	wrdreg s4  }
0xaa: {  	[dreg:$0x3] =	wrdreg s6  }
0xab: {  	[dreg:$0x4] =	wrdreg $0xC0  }
0xac: {  	_ =	task [dreg:s8], $0x5FFFF  }
0xad: {  	[dreg:$0x1] =	wrdreg $0xFFFFFFFF  }
0xae: {  	[dreg:$0x0] =	wrdreg $0x60  }
0xaf: {  	[dreg:$0x2] =	wrdreg s24  }
0xb0: {  	[dreg:$0x3] =	wrdreg s2  }
0xb1: {  	[dreg:$0x4] =	wrdreg s18  }
0xb2: {  	[dreg:$0x5] =	wrdreg $0x9  }
0xb3: {  	_ =	task.clear_ibuf [dreg:s8], $0x6FFFF;
	_ =	strace $0x90000046  }
0xb4: {  	s29 =	simm.s32 $0x9;
	_ =	strace $0x80000048  }
0xb5: {  	_ =	swait.ge [sflag:s29], $0x1  }
0xb6: {  	[sflag:s29] =	ssyncadd.s32 $0xFFFFFFFF  }
0xb7: {  	_ =	strace $0x90000048  }
0xb8: {  	_ =	sfence  }
0xb9: {  	s30 =	sld [smem:$0x0];
	_ =	sdelay $0x2  }
0xba: {  	s31 =	sshll.u32 s1, $0xD;
	s1 =	sshrl.u32 s1, $0x2  }
0xbb: {  	s3 =	sand.u32 $0x4000, s31;
	s1 =	sadd.s32 s1, s30  }
0xbc: {  	s0 =	sor.u32 s3, s0;
	s1 =	sshll.u32 s1, $0x11  }
0xbd: {  	s0 =	sor.u32 s1, s0  }
0xbe: {  	s0 =	sadd.s32 $0x8F2B, s0  }
0xbf: {  	[sflag:s0] =	ssyncadd.remote.s32 $0x1  }
0xc0: {  	_ =	sfence.sel $0xFFFF  }
0xc1: {  	[dreg:$0x0] =	wrdreg $0xFFFFFFFF;
	(pc) =	sbr.abs _section_cstart, $3  }
0xc2: {  	[dreg:$0x1] =	wrdreg $0xFFFFFFFF  }
0xc3: {  	_ =	task.clear_ibuf [dreg:s8], $0x2FFFF;
	_ =	strace $0x9FFFFFFF  }
0xc4: {  	(tm) =	ssettm $0x7FFFFFFF  }
0xc5: {  	_ =	shalt  }
tec
execute0_lowered:
.L_overlay_start_1:
0x0: {  	(tag) =	ssettag $0x1  }
0x1: {  	s4 =	rddreg [dreg:$0x0]  }
0x2: {  	s0 =	srdreg.scid;
	s2 =	rddreg [dreg:$0x1]  }
0x3: {  	s3 =	stileid.u32;
	s7 =	rddreg [dreg:$0x2];
	s14 =	simm.s32 $0x6C00  }
0x4: {  	s30 =	simm.s32 $0x7400;
	s16 =	simm.s32 $0x7C00;
	s17 =	simm.s32 $0x8400  }
0x5: {  	s18 =	simm.s32 $0x8C00;
	s19 =	simm.s32 $0x9400;
	s20 =	simm.s32 $0x9C00  }
0x6: {  	s21 =	simm.s32 $0xA400;
	s28 =	simm.s32 $0xD400;
	s29 =	simm.s32 $0xDC00  }
0x7: {  	s11 =	simm.s32 $0xFC00;
	s31 =	simm.s32 $0x10400;
	s15 =	simm.s32 $0x12400  }
0x8: {  	s10 =	simm.s32 $0x3;
	s12 =	simm.s32 $0x4;
	s13 =	simm.s32 $0x0  }
0x9: {  	s0 =	sand.u32 $0x1, s0;
	s1 =	sshll.u32 s3, $0x1;
	s5 =	smul.u32 $0xC800, s3  }
0xa: {  	s3 =	simm.s32 $0x0;
	s1 =	sor.u32 s0, s1;
	s6 =	smul.u32 $0x6400, s0  }
0xb: {  	[smem:$0x7FF] =	sst s3;
	s0 =	ssub.s32 $0x2, s0;
	s1 =	smul.u32 $0x6400, s1  }
0xc: {  	_ =	strace $0x80000047;
	s8 =	sshrl.u32 s0, $0x1;
	[dreg:$0xa] =	wrdreg s13  }
0xd: {  	s5 =	sadd.s32 s6, s5;
	s0 =	ssub.s32 s0, s8;
	s8 =	simm.s32 $0x2  }
0xe: {  	s1 =	sshrl.u32 s1, $0x3;
	s6 =	sor.u32 $0x80, s5;
	s5 =	sor.u32 $0x40, s5  }
0xf: {  	s0 =	smax.u32 s0, $0x1;
	s4 =	sadd.s32 s1, s4;
	s1 =	smul.u32 $0x300, s1  }
0x10: {  	s6 =	sshrl.u32 s6, $0x3;
	s5 =	sshrl.u32 s5, $0x3;
	[dreg:$0x9] =	wrdreg s0  }
0x11: {  	s0 =	simm.s32 $0xEC00;
	s9 =	smul.u32 $0x300, s6;
	s4 =	sadd.s32 $0x400, s4  }
0x12: {  	s22 =	smul.u32 $0x300, s5;
	s5 =	sadd.s32 $0x100, s2;
	s6 =	sadd.s32 $0x200, s2  }
0x13: {  	[dreg:$0x6] =	wrdreg s4;
	s24 =	sadd.s32 s7, s1;
	s1 =	simm.s32 $0xE400  }
0x14: {  	s4 =	simm.s32 $0xF400;
	s23 =	sadd.s32 s9, s7;
	[dreg:$0x7] =	wrdreg s24  }
0x15: {  	s25 =	sadd.s32 s22, s7;
	s26 =	sadd.s32 $0x256800, s24;
	[dreg:$0x4] =	wrdreg s23  }
0x16: {  	v2 =	vlaneseq.u32;
	s7 =	simm.s32 $0x6400;
	s22 =	simm.s32 $0xAC00;
	[dreg:$0x8] =	wrdreg s26  }
0x17: {  	vm0 =	vmmov $0xffff;
	v1 =	vshrl.u32 v2, $0x3;
	s24 =	simm.s32 $0xBC00;
	s9 =	simm.s32 $0x1;
	[dreg:$0x5] =	wrdreg s25  }
0x18: {  	v0 =	vand.u32 $0x7, v2;
	v2 =	vor.u32 $0x8, v2;
	v1 =	vmul.u32 $0x8, v1;
	s23 =	simm.s32 $0xB400;
	s25 =	simm.s32 $0xC400;
	s26 =	simm.s32 $0xCC00  }
.LBB2_1:
0x19: {  	s13 =	rddreg [dreg:$0x6]  }
0x1a: {  	[tilespmem:s3], [sflag:$0x5] =	stream.linear.gather [hbm4b:s13+s3], $0x6400, $0x38;
	[tilespmem:$0x1E400] =	vst v63  }
0x1b: {  	s13 =	simm.s32 $0x5  }
0x1c: {  	_ =	swait.ge [sflag:s13], $0x6400  }
0x1d: {  	[sflag:s13] =	ssyncset.done $0x0  }
0x1e: {  	[sflag:s13] =	ssyncadd.s32 $0xFFFF9C00  }
0x1f: {  	v3 =	vld [tilespmem:$0x0];
	_ =	sdelay $0x4  }
0x20: {  	v4 =	vshrl.u32 v3, $0x3  }
0x21: {  	v4 =	vmul.u32 $0x30, v4  }
0x22: {  	v3 =	vand.u32 $0x7, v3  }
0x23: {  	v3 =	vor.u32 v3, v4  }
0x24: {  	v4 =	vperm.xlane v3, v0;
	_ =	sdelay $0x1  }
0x25: {  	v4 =	vadd.s32 v1, v4;
	_ =	sdelay $0x3  }
0x26: {  	v3 =	vperm.xlane v3, v2  }
0x27: {  	[tilespmem:s7], [sflag:$0x1] =	stream.indirect_vreg.gather [hbm4b:s2+s3], $0x80, v4, vm0, $0xb8;
	[tilespmem:$0x1E400] =	vst v63  }
0x28: {  	v3 =	vadd.s32 v1, v3  }
0x29: {  	[tilespmem:s14], [sflag:$0x1] =	stream.indirect_vreg.gather [hbm4b:s5+s3], $0x80, v4, vm0, $0xb8;
	[tilespmem:$0x1E400] =	vst v63  }
0x2a: {  	_ = 	snop  }
0x2b: {  	[tilespmem:s30], [sflag:$0x1] =	stream.indirect_vreg.gather [hbm4b:s6+s3], $0x80, v4, vm0, $0xb8;
	[tilespmem:$0x1E400] =	vst v63  }
0x2c: {  	_ = 	snop  }
0x2d: {  	[tilespmem:s16], [sflag:$0x1] =	stream.indirect_vreg.gather [hbm4b:s2+s3], $0x80, v3, vm0, $0xb8;
	[tilespmem:$0x1E400] =	vst v63  }
0x2e: {  	_ = 	snop  }
0x2f: {  	[tilespmem:s17], [sflag:$0x1] =	stream.indirect_vreg.gather [hbm4b:s5+s3], $0x80, v3, vm0, $0xb8;
	[tilespmem:$0x1E400] =	vst v63  }
0x30: {  	_ = 	snop  }
0x31: {  	[tilespmem:s18], [sflag:$0x1] =	stream.indirect_vreg.gather [hbm4b:s6+s3], $0x80, v3, vm0, $0xb8;
	[tilespmem:$0x1E400] =	vst v63  }
0x32: {  	v3 =	vld [tilespmem:$0x10];
	_ =	sdelay $0x4  }
0x33: {  	v57 =	vshrl.u32 v3, $0x3  }
0x34: {  	v4 =	vmul.u32 $0x30, v57  }
0x35: {  	v3 =	vand.u32 $0x7, v3  }
0x36: {  	v3 =	vor.u32 v3, v4  }
0x37: {  	v4 =	vperm.xlane v3, v0;
	_ =	sdelay $0x1  }
0x38: {  	v4 =	vadd.s32 v1, v4;
	_ =	sdelay $0x3  }
0x39: {  	v3 =	vperm.xlane v3, v2  }
0x3a: {  	[tilespmem:s19], [sflag:$0x1] =	stream.indirect_vreg.gather [hbm4b:s2+s3], $0x80, v4, vm0, $0xb8;
	[tilespmem:$0x1E400] =	vst v63  }
0x3b: {  	v3 =	vadd.s32 v1, v3  }
0x3c: {  	[tilespmem:s20], [sflag:$0x1] =	stream.indirect_vreg.gather [hbm4b:s5+s3], $0x80, v4, vm0, $0xb8;
	[tilespmem:$0x1E400] =	vst v63  }
0x3d: {  	_ = 	snop  }
0x3e: {  	[tilespmem:s21], [sflag:$0x1] =	stream.indirect_vreg.gather [hbm4b:s6+s3], $0x80, v4, vm0, $0xb8;
	[tilespmem:$0x1E400] =	vst v63  }
0x3f: {  	_ = 	snop  }
0x40: {  	[tilespmem:s22], [sflag:$0x1] =	stream.indirect_vreg.gather [hbm4b:s2+s3], $0x80, v3, vm0, $0xb8;
	[tilespmem:$0x1E400] =	vst v63  }
0x41: {  	_ = 	snop  }
0x42: {  	[tilespmem:s23], [sflag:$0x1] =	stream.indirect_vreg.gather [hbm4b:s5+s3], $0x80, v3, vm0, $0xb8;
	[tilespmem:$0x1E400] =	vst v63  }
0x43: {  	_ = 	snop  }
0x44: {  	[tilespmem:s24], [sflag:$0x1] =	stream.indirect_vreg.gather [hbm4b:s6+s3], $0x80, v3, vm0, $0xb8;
	[tilespmem:$0x1E400] =	vst v63  }
0x45: {  	v3 =	vld [tilespmem:$0x20];
	_ =	sdelay $0x4  }
0x46: {  	v58 =	vshrl.u32 v3, $0x3  }
0x47: {  	v4 =	vmul.u32 $0x30, v58  }
0x48: {  	v3 =	vand.u32 $0x7, v3  }
0x49: {  	v3 =	vor.u32 v3, v4  }
0x4a: {  	v4 =	vperm.xlane v3, v0;
	_ =	sdelay $0x1  }
0x4b: {  	v4 =	vadd.s32 v1, v4;
	_ =	sdelay $0x3  }
0x4c: {  	v3 =	vperm.xlane v3, v2  }
0x4d: {  	[tilespmem:s25], [sflag:$0x1] =	stream.indirect_vreg.gather [hbm4b:s2+s3], $0x80, v4, vm0, $0xb8;
	[tilespmem:$0x1E400] =	vst v63  }
0x4e: {  	v3 =	vadd.s32 v1, v3  }
0x4f: {  	[tilespmem:s26], [sflag:$0x1] =	stream.indirect_vreg.gather [hbm4b:s5+s3], $0x80, v4, vm0, $0xb8;
	[tilespmem:$0x1E400] =	vst v63  }
0x50: {  	_ = 	snop  }
0x51: {  	[tilespmem:s28], [sflag:$0x1] =	stream.indirect_vreg.gather [hbm4b:s6+s3], $0x80, v4, vm0, $0xb8;
	[tilespmem:$0x1E400] =	vst v63  }
0x52: {  	_ = 	snop  }
0x53: {  	[tilespmem:s29], [sflag:$0x1] =	stream.indirect_vreg.gather [hbm4b:s2+s3], $0x80, v3, vm0, $0xb8;
	[tilespmem:$0x1E400] =	vst v63  }
0x54: {  	_ = 	snop  }
0x55: {  	[tilespmem:s1], [sflag:$0x1] =	stream.indirect_vreg.gather [hbm4b:s5+s3], $0x80, v3, vm0, $0xb8;
	[tilespmem:$0x1E400] =	vst v63  }
0x56: {  	_ = 	snop  }
0x57: {  	[tilespmem:s0], [sflag:$0x1] =	stream.indirect_vreg.gather [hbm4b:s6+s3], $0x80, v3, vm0, $0xb8;
	[tilespmem:$0x1E400] =	vst v63  }
0x58: {  	v3 =	vld [tilespmem:$0x30];
	_ =	sdelay $0x4  }
0x59: {  	v59 =	vshrl.u32 v3, $0x3  }
0x5a: {  	v4 =	vmul.u32 $0x30, v59  }
0x5b: {  	v3 =	vand.u32 $0x7, v3  }
0x5c: {  	v3 =	vor.u32 v3, v4  }
0x5d: {  	v4 =	vperm.xlane v3, v0;
	_ =	sdelay $0x1  }
0x5e: {  	v4 =	vadd.s32 v1, v4;
	_ =	sdelay $0x3  }
0x5f: {  	v3 =	vperm.xlane v3, v2  }
0x60: {  	[tilespmem:s4], [sflag:$0x1] =	stream.indirect_vreg.gather [hbm4b:s2+s3], $0x80, v4, vm0, $0xb8;
	[tilespmem:$0x1E400] =	vst v63  }
0x61: {  	v3 =	vadd.s32 v1, v3  }
0x62: {  	[tilespmem:s11], [sflag:$0x1] =	stream.indirect_vreg.gather [hbm4b:s5+s3], $0x80, v4, vm0, $0xb8;
	[tilespmem:$0x1E400] =	vst v63  }
0x63: {  	_ = 	snop  }
0x64: {  	[tilespmem:s31], [sflag:$0x1] =	stream.indirect_vreg.gather [hbm4b:s6+s3], $0x80, v4, vm0, $0xb8;
	[tilespmem:$0x1E400] =	vst v63  }
0x65: {  	s22 =	simm.s32 $0x10C00  }
0x66: {  	[tilespmem:s22], [sflag:$0x1] =	stream.indirect_vreg.gather [hbm4b:s2+s3], $0x80, v3, vm0, $0xb8;
	[tilespmem:$0x1E400] =	vst v63  }
0x67: {  	s23 =	simm.s32 $0x11400  }
0x68: {  	[tilespmem:s23], [sflag:$0x1] =	stream.indirect_vreg.gather [hbm4b:s5+s3], $0x80, v3, vm0, $0xb8;
	[tilespmem:$0x1E400] =	vst v63  }
0x69: {  	s24 =	simm.s32 $0x11C00  }
0x6a: {  	[tilespmem:s24], [sflag:$0x1] =	stream.indirect_vreg.gather [hbm4b:s6+s3], $0x80, v3, vm0, $0xb8;
	[tilespmem:$0x1E400] =	vst v63  }
0x6b: {  	_ =	swait.ge [sflag:s9], $0xC000  }
0x6c: {  	[sflag:s9] =	ssyncset.done $0x0  }
0x6d: {  	s25 =	rddreg [dreg:$0x7];
	[sflag:s9] =	ssyncadd.s32 $0xFFFF4000  }
0x6e: {  	[hbm4b:s25+s3] =	stream.linear.scatter [tilespmem:s7], [sflag:$0x3], $0xC000, $0x38;
	[tilespmem:$0x1E400] =	vst v63  }
0x6f: {  	v3 =	vld [tilespmem:$0x40];
	_ =	sdelay $0x4  }
0x70: {  	v60 =	vshrl.u32 v3, $0x3  }
0x71: {  	v4 =	vmul.u32 $0x30, v60  }
0x72: {  	v3 =	vand.u32 $0x7, v3  }
0x73: {  	v3 =	vor.u32 v3, v4  }
0x74: {  	v4 =	vperm.xlane v3, v0;
	_ =	sdelay $0x1  }
0x75: {  	v4 =	vadd.s32 v1, v4;
	_ =	sdelay $0x3  }
0x76: {  	v3 =	vperm.xlane v3, v2  }
0x77: {  	[tilespmem:s15], [sflag:$0x2] =	stream.indirect_vreg.gather [hbm4b:s2+s3], $0x80, v4, vm0, $0xb8;
	[tilespmem:$0x1E400] =	vst v63  }
0x78: {  	s26 =	simm.s32 $0x12C00;
	v3 =	vadd.s32 v1, v3  }
0x79: {  	[tilespmem:s26], [sflag:$0x2] =	stream.indirect_vreg.gather [hbm4b:s5+s3], $0x80, v4, vm0, $0xb8;
	[tilespmem:$0x1E400] =	vst v63  }
0x7a: {  	s1 =	simm.s32 $0x13400  }
0x7b: {  	[tilespmem:s1], [sflag:$0x2] =	stream.indirect_vreg.gather [hbm4b:s6+s3], $0x80, v4, vm0, $0xb8;
	[tilespmem:$0x1E400] =	vst v63  }
0x7c: {  	s4 =	simm.s32 $0x13C00  }
0x7d: {  	[tilespmem:s4], [sflag:$0x2] =	stream.indirect_vreg.gather [hbm4b:s2+s3], $0x80, v3, vm0, $0xb8;
	[tilespmem:$0x1E400] =	vst v63  }
0x7e: {  	s7 =	simm.s32 $0x14400  }
0x7f: {  	[tilespmem:s7], [sflag:$0x2] =	stream.indirect_vreg.gather [hbm4b:s5+s3], $0x80, v3, vm0, $0xb8;
	[tilespmem:$0x1E400] =	vst v63  }
0x80: {  	s11 =	simm.s32 $0x14C00  }
0x81: {  	[tilespmem:s11], [sflag:$0x2] =	stream.indirect_vreg.gather [hbm4b:s6+s3], $0x80, v3, vm0, $0xb8;
	[tilespmem:$0x1E400] =	vst v63  }
0x82: {  	v3 =	vld [tilespmem:$0x50];
	_ =	sdelay $0x4  }
0x83: {  	v61 =	vshrl.u32 v3, $0x3  }
0x84: {  	v4 =	vmul.u32 $0x30, v61  }
0x85: {  	v3 =	vand.u32 $0x7, v3  }
0x86: {  	v3 =	vor.u32 v3, v4  }
0x87: {  	v4 =	vperm.xlane v3, v0;
	_ =	sdelay $0x1  }
0x88: {  	v4 =	vadd.s32 v1, v4;
	_ =	sdelay $0x3  }
0x89: {  	s13 =	simm.s32 $0x15400;
	v3 =	vperm.xlane v3, v2  }
0x8a: {  	[tilespmem:s13], [sflag:$0x2] =	stream.indirect_vreg.gather [hbm4b:s2+s3], $0x80, v4, vm0, $0xb8;
	[tilespmem:$0x1E400] =	vst v63  }
0x8b: {  	s14 =	simm.s32 $0x15C00;
	v3 =	vadd.s32 v1, v3  }
0x8c: {  	[tilespmem:s14], [sflag:$0x2] =	stream.indirect_vreg.gather [hbm4b:s5+s3], $0x80, v4, vm0, $0xb8;
	[tilespmem:$0x1E400] =	vst v63  }
0x8d: {  	s15 =	simm.s32 $0x16400  }
0x8e: {  	[tilespmem:s15], [sflag:$0x2] =	stream.indirect_vreg.gather [hbm4b:s6+s3], $0x80, v4, vm0, $0xb8;
	[tilespmem:$0x1E400] =	vst v63  }
0x8f: {  	s16 =	simm.s32 $0x16C00  }
0x90: {  	[tilespmem:s16], [sflag:$0x2] =	stream.indirect_vreg.gather [hbm4b:s2+s3], $0x80, v3, vm0, $0xb8;
	[tilespmem:$0x1E400] =	vst v63  }
0x91: {  	s17 =	simm.s32 $0x17400  }
0x92: {  	[tilespmem:s17], [sflag:$0x2] =	stream.indirect_vreg.gather [hbm4b:s5+s3], $0x80, v3, vm0, $0xb8;
	[tilespmem:$0x1E400] =	vst v63  }
0x93: {  	s18 =	simm.s32 $0x17C00  }
0x94: {  	[tilespmem:s18], [sflag:$0x2] =	stream.indirect_vreg.gather [hbm4b:s6+s3], $0x80, v3, vm0, $0xb8;
	[tilespmem:$0x1E400] =	vst v63  }
0x95: {  	v3 =	vld [tilespmem:$0x60];
	_ =	sdelay $0x4  }
0x96: {  	v62 =	vshrl.u32 v3, $0x3  }
0x97: {  	v4 =	vmul.u32 $0x30, v62  }
0x98: {  	v3 =	vand.u32 $0x7, v3  }
0x99: {  	v3 =	vor.u32 v3, v4  }
0x9a: {  	v4 =	vperm.xlane v3, v0;
	_ =	sdelay $0x1  }
0x9b: {  	v4 =	vadd.s32 v1, v4;
	_ =	sdelay $0x3  }
0x9c: {  	s19 =	simm.s32 $0x18400;
	v3 =	vperm.xlane v3, v2  }
0x9d: {  	[tilespmem:s19], [sflag:$0x2] =	stream.indirect_vreg.gather [hbm4b:s2+s3], $0x80, v4, vm0, $0xb8;
	[tilespmem:$0x1E400] =	vst v63  }
0x9e: {  	s20 =	simm.s32 $0x18C00;
	v3 =	vadd.s32 v1, v3  }
0x9f: {  	[tilespmem:s20], [sflag:$0x2] =	stream.indirect_vreg.gather [hbm4b:s5+s3], $0x80, v4, vm0, $0xb8;
	[tilespmem:$0x1E400] =	vst v63  }
0xa0: {  	s21 =	simm.s32 $0x19400  }
0xa1: {  	[tilespmem:s21], [sflag:$0x2] =	stream.indirect_vreg.gather [hbm4b:s6+s3], $0x80, v4, vm0, $0xb8;
	[tilespmem:$0x1E400] =	vst v63  }
0xa2: {  	s22 =	simm.s32 $0x19C00  }
0xa3: {  	[tilespmem:s22], [sflag:$0x2] =	stream.indirect_vreg.gather [hbm4b:s2+s3], $0x80, v3, vm0, $0xb8;
	[tilespmem:$0x1E400] =	vst v63  }
0xa4: {  	s23 =	simm.s32 $0x1A400  }
0xa5: {  	[tilespmem:s23], [sflag:$0x2] =	stream.indirect_vreg.gather [hbm4b:s5+s3], $0x80, v3, vm0, $0xb8;
	[tilespmem:$0x1E400] =	vst v63  }
0xa6: {  	s24 =	simm.s32 $0x1AC00  }
0xa7: {  	[tilespmem:s24], [sflag:$0x2] =	stream.indirect_vreg.gather [hbm4b:s6+s3], $0x80, v3, vm0, $0xb8;
	[tilespmem:$0x1E400] =	vst v63  }
0xa8: {  	v3 =	vld [tilespmem:$0x70];
	_ =	sdelay $0x4  }
0xa9: {  	v63 =	vshrl.u32 v3, $0x3  }
0xaa: {  	v4 =	vmul.u32 $0x30, v63  }
0xab: {  	v3 =	vand.u32 $0x7, v3  }
0xac: {  	v3 =	vor.u32 v3, v4  }
0xad: {  	v4 =	vperm.xlane v3, v0;
	_ =	sdelay $0x1  }
0xae: {  	v4 =	vadd.s32 v1, v4;
	_ =	sdelay $0x1  }
0xaf: {  	s30 =	simm.s32 $0xD400;
	s28 =	simm.s32 $0xC400  }
0xb0: {  	s29 =	simm.s32 $0xCC00;
	s0 =	simm.s32 $0xEC00;
	s31 =	simm.s32 $0x1CC00  }
0xb1: {  	s25 =	simm.s32 $0x1B400;
	s26 =	simm.s32 $0x1BC00;
	s1 =	simm.s32 $0xE400;
	v3 =	vperm.xlane v3, v2  }
0xb2: {  	[tilespmem:s25], [sflag:$0x2] =	stream.indirect_vreg.gather [hbm4b:s2+s3], $0x80, v4, vm0, $0xb8;
	[tilespmem:$0x1E400] =	vst v63  }
0xb3: {  	s4 =	simm.s32 $0xF400;
	s7 =	simm.s32 $0x6400;
	s11 =	simm.s32 $0xFC00;
	v3 =	vadd.s32 v1, v3  }
0xb4: {  	[tilespmem:s26], [sflag:$0x2] =	stream.indirect_vreg.gather [hbm4b:s5+s3], $0x80, v4, vm0, $0xb8;
	[tilespmem:$0x1E400] =	vst v63  }
0xb5: {  	s13 =	simm.s32 $0xF0;
	s14 =	simm.s32 $0x0;
	s26 =	simm.s32 $0x1C400  }
0xb6: {  	[tilespmem:s26], [sflag:$0x2] =	stream.indirect_vreg.gather [hbm4b:s6+s3], $0x80, v4, vm0, $0xb8;
	[tilespmem:$0x1E400] =	vst v63  }
0xb7: {  	s16 =	simm.s32 $0x1D400;
	s17 =	simm.s32 $0x7400;
	s19 =	simm.s32 $0x8400  }
0xb8: {  	[tilespmem:s31], [sflag:$0x2] =	stream.indirect_vreg.gather [hbm4b:s2+s3], $0x80, v3, vm0, $0xb8;
	[tilespmem:$0x1E400] =	vst v63  }
0xb9: {  	s20 =	simm.s32 $0x1DC00;
	s21 =	simm.s32 $0x9400;
	s22 =	simm.s32 $0x10400  }
0xba: {  	[tilespmem:s16], [sflag:$0x2] =	stream.indirect_vreg.gather [hbm4b:s5+s3], $0x80, v3, vm0, $0xb8;
	[tilespmem:$0x1E400] =	vst v63  }
0xbb: {  	s23 =	simm.s32 $0xA400;
	s24 =	simm.s32 $0xAC00;
	s25 =	simm.s32 $0xB400  }
0xbc: {  	[tilespmem:s20], [sflag:$0x2] =	stream.indirect_vreg.gather [hbm4b:s6+s3], $0x80, v3, vm0, $0xb8;
	[tilespmem:$0x1E400] =	vst v63  }
.LBB2_2:
0xbd: {  	_ =	swait.ge [sflag:s8], $0xC000  }
0xbe: {  	s15 =	rddreg [dreg:$0x5];
	[sflag:s8] =	ssyncset.done $0x0  }
0xbf: {  	s18 =	simm.s32 $0x12400;
	[sflag:s8] =	ssyncadd.s32 $0xFFFF4000;
	s15 =	sadd.s32 s14, s15  }
0xc0: {  	[hbm4b:s15+s3] =	stream.linear.scatter [tilespmem:s18], [sflag:$0x4], $0xC000, $0x38;
	[tilespmem:$0x1E400] =	vst v63  }
0xc1: {  	_ =	swait.ge [sflag:s10], $0xC000  }
0xc2: {  	[sflag:s10] =	ssyncset.done $0x0  }
0xc3: {  	[sflag:s10] =	ssyncadd.s32 $0xFFFF4000  }
0xc4: {  	v3 =	vld [tilespmem:s13+$0xFFFFFF90];
	_ =	sdelay $0x4  }
0xc5: {  	v4 =	vshrl.u32 v3, $0x3  }
0xc6: {  	v4 =	vmul.u32 $0x30, v4  }
0xc7: {  	v3 =	vand.u32 $0x7, v3  }
0xc8: {  	v3 =	vor.u32 v3, v4  }
0xc9: {  	v4 =	vperm.xlane v3, v0;
	_ =	sdelay $0x1  }
0xca: {  	v4 =	vadd.s32 v1, v4;
	_ =	sdelay $0x3  }
0xcb: {  	v3 =	vperm.xlane v3, v2  }
0xcc: {  	[tilespmem:s7], [sflag:$0x1] =	stream.indirect_vreg.gather [hbm4b:s2+s3], $0x80, v4, vm0, $0xb8;
	[tilespmem:$0x1E400] =	vst v63  }
0xcd: {  	s15 =	simm.s32 $0x6C00;
	v3 =	vadd.s32 v1, v3  }
0xce: {  	[tilespmem:s15], [sflag:$0x1] =	stream.indirect_vreg.gather [hbm4b:s5+s3], $0x80, v4, vm0, $0xb8;
	[tilespmem:$0x1E400] =	vst v63  }
0xcf: {  	_ = 	snop  }
0xd0: {  	[tilespmem:s17], [sflag:$0x1] =	stream.indirect_vreg.gather [hbm4b:s6+s3], $0x80, v4, vm0, $0xb8;
	[tilespmem:$0x1E400] =	vst v63  }
0xd1: {  	s15 =	simm.s32 $0x7C00  }
0xd2: {  	[tilespmem:s15], [sflag:$0x1] =	stream.indirect_vreg.gather [hbm4b:s2+s3], $0x80, v3, vm0, $0xb8;
	[tilespmem:$0x1E400] =	vst v63  }
0xd3: {  	_ = 	snop  }
0xd4: {  	[tilespmem:s19], [sflag:$0x1] =	stream.indirect_vreg.gather [hbm4b:s5+s3], $0x80, v3, vm0, $0xb8;
	[tilespmem:$0x1E400] =	vst v63  }
0xd5: {  	s15 =	simm.s32 $0x8C00  }
0xd6: {  	[tilespmem:s15], [sflag:$0x1] =	stream.indirect_vreg.gather [hbm4b:s6+s3], $0x80, v3, vm0, $0xb8;
	[tilespmem:$0x1E400] =	vst v63  }
0xd7: {  	v3 =	vld [tilespmem:s13+$0xFFFFFFA0];
	_ =	sdelay $0x4  }
0xd8: {  	v57 =	vshrl.u32 v3, $0x3  }
0xd9: {  	v4 =	vmul.u32 $0x30, v57  }
0xda: {  	v3 =	vand.u32 $0x7, v3  }
0xdb: {  	v3 =	vor.u32 v3, v4  }
0xdc: {  	v4 =	vperm.xlane v3, v0;
	_ =	sdelay $0x1  }
0xdd: {  	v4 =	vadd.s32 v1, v4;
	_ =	sdelay $0x3  }
0xde: {  	v3 =	vperm.xlane v3, v2  }
0xdf: {  	[tilespmem:s21], [sflag:$0x1] =	stream.indirect_vreg.gather [hbm4b:s2+s3], $0x80, v4, vm0, $0xb8;
	[tilespmem:$0x1E400] =	vst v63  }
0xe0: {  	s15 =	simm.s32 $0x9C00;
	v3 =	vadd.s32 v1, v3  }
0xe1: {  	[tilespmem:s15], [sflag:$0x1] =	stream.indirect_vreg.gather [hbm4b:s5+s3], $0x80, v4, vm0, $0xb8;
	[tilespmem:$0x1E400] =	vst v63  }
0xe2: {  	_ = 	snop  }
0xe3: {  	[tilespmem:s23], [sflag:$0x1] =	stream.indirect_vreg.gather [hbm4b:s6+s3], $0x80, v4, vm0, $0xb8;
	[tilespmem:$0x1E400] =	vst v63  }
0xe4: {  	_ = 	snop  }
0xe5: {  	[tilespmem:s24], [sflag:$0x1] =	stream.indirect_vreg.gather [hbm4b:s2+s3], $0x80, v3, vm0, $0xb8;
	[tilespmem:$0x1E400] =	vst v63  }
0xe6: {  	_ = 	snop  }
0xe7: {  	[tilespmem:s25], [sflag:$0x1] =	stream.indirect_vreg.gather [hbm4b:s5+s3], $0x80, v3, vm0, $0xb8;
	[tilespmem:$0x1E400] =	vst v63  }
0xe8: {  	s15 =	simm.s32 $0xBC00  }
0xe9: {  	[tilespmem:s15], [sflag:$0x1] =	stream.indirect_vreg.gather [hbm4b:s6+s3], $0x80, v3, vm0, $0xb8;
	[tilespmem:$0x1E400] =	vst v63  }
0xea: {  	v3 =	vld [tilespmem:s13+$0xFFFFFFB0];
	_ =	sdelay $0x4  }
0xeb: {  	v58 =	vshrl.u32 v3, $0x3  }
0xec: {  	v4 =	vmul.u32 $0x30, v58  }
0xed: {  	v3 =	vand.u32 $0x7, v3  }
0xee: {  	v3 =	vor.u32 v3, v4  }
0xef: {  	v4 =	vperm.xlane v3, v0;
	_ =	sdelay $0x1  }
0xf0: {  	v4 =	vadd.s32 v1, v4;
	_ =	sdelay $0x3  }
0xf1: {  	v3 =	vperm.xlane v3, v2  }
0xf2: {  	[tilespmem:s28], [sflag:$0x1] =	stream.indirect_vreg.gather [hbm4b:s2+s3], $0x80, v4, vm0, $0xb8;
	[tilespmem:$0x1E400] =	vst v63  }
0xf3: {  	v3 =	vadd.s32 v1, v3  }
0xf4: {  	[tilespmem:s29], [sflag:$0x1] =	stream.indirect_vreg.gather [hbm4b:s5+s3], $0x80, v4, vm0, $0xb8;
	[tilespmem:$0x1E400] =	vst v63  }
0xf5: {  	_ = 	snop  }
0xf6: {  	[tilespmem:s30], [sflag:$0x1] =	stream.indirect_vreg.gather [hbm4b:s6+s3], $0x80, v4, vm0, $0xb8;
	[tilespmem:$0x1E400] =	vst v63  }
0xf7: {  	s15 =	simm.s32 $0xDC00  }
0xf8: {  	[tilespmem:s15], [sflag:$0x1] =	stream.indirect_vreg.gather [hbm4b:s2+s3], $0x80, v3, vm0, $0xb8;
	[tilespmem:$0x1E400] =	vst v63  }
0xf9: {  	_ = 	snop  }
0xfa: {  	[tilespmem:s1], [sflag:$0x1] =	stream.indirect_vreg.gather [hbm4b:s5+s3], $0x80, v3, vm0, $0xb8;
	[tilespmem:$0x1E400] =	vst v63  }
0xfb: {  	_ = 	snop  }
0xfc: {  	[tilespmem:s0], [sflag:$0x1] =	stream.indirect_vreg.gather [hbm4b:s6+s3], $0x80, v3, vm0, $0xb8;
	[tilespmem:$0x1E400] =	vst v63  }
0xfd: {  	v3 =	vld [tilespmem:s13+$0xFFFFFFC0];
	_ =	sdelay $0x4  }
0xfe: {  	v59 =	vshrl.u32 v3, $0x3  }
0xff: {  	v4 =	vmul.u32 $0x30, v59  }
0x100: {  	v3 =	vand.u32 $0x7, v3  }
0x101: {  	v3 =	vor.u32 v3, v4  }
0x102: {  	v4 =	vperm.xlane v3, v0;
	_ =	sdelay $0x1  }
0x103: {  	v4 =	vadd.s32 v1, v4;
	_ =	sdelay $0x3  }
0x104: {  	v3 =	vperm.xlane v3, v2  }
0x105: {  	[tilespmem:s4], [sflag:$0x1] =	stream.indirect_vreg.gather [hbm4b:s2+s3], $0x80, v4, vm0, $0xb8;
	[tilespmem:$0x1E400] =	vst v63  }
0x106: {  	v3 =	vadd.s32 v1, v3  }
0x107: {  	[tilespmem:s11], [sflag:$0x1] =	stream.indirect_vreg.gather [hbm4b:s5+s3], $0x80, v4, vm0, $0xb8;
	[tilespmem:$0x1E400] =	vst v63  }
0x108: {  	_ = 	snop  }
0x109: {  	[tilespmem:s22], [sflag:$0x1] =	stream.indirect_vreg.gather [hbm4b:s6+s3], $0x80, v4, vm0, $0xb8;
	[tilespmem:$0x1E400] =	vst v63  }
0x10a: {  	s15 =	simm.s32 $0x10C00  }
0x10b: {  	[tilespmem:s15], [sflag:$0x1] =	stream.indirect_vreg.gather [hbm4b:s2+s3], $0x80, v3, vm0, $0xb8;
	[tilespmem:$0x1E400] =	vst v63  }
0x10c: {  	s15 =	simm.s32 $0x11400  }
0x10d: {  	[tilespmem:s15], [sflag:$0x1] =	stream.indirect_vreg.gather [hbm4b:s5+s3], $0x80, v3, vm0, $0xb8;
	[tilespmem:$0x1E400] =	vst v63  }
0x10e: {  	s15 =	simm.s32 $0x11C00  }
0x10f: {  	[tilespmem:s15], [sflag:$0x1] =	stream.indirect_vreg.gather [hbm4b:s6+s3], $0x80, v3, vm0, $0xb8;
	[tilespmem:$0x1E400] =	vst v63  }
0x110: {  	_ =	swait.ge [sflag:s9], $0xC000  }
0x111: {  	s15 =	rddreg [dreg:$0x4];
	[sflag:s9] =	ssyncset.done $0x0  }
0x112: {  	[sflag:s9] =	ssyncadd.s32 $0xFFFF4000;
	s15 =	sadd.s32 s14, s15  }
0x113: {  	[hbm4b:s15+s3] =	stream.linear.scatter [tilespmem:s7], [sflag:$0x3], $0xC000, $0x38;
	[tilespmem:$0x1E400] =	vst v63  }
0x114: {  	_ =	swait.ge [sflag:s12], $0xC000  }
0x115: {  	[sflag:s12] =	ssyncset.done $0x0  }
0x116: {  	[sflag:s12] =	ssyncadd.s32 $0xFFFF4000  }
0x117: {  	v3 =	vld [tilespmem:s13+$0xFFFFFFD0];
	_ =	sdelay $0x4  }
0x118: {  	v60 =	vshrl.u32 v3, $0x3  }
0x119: {  	v4 =	vmul.u32 $0x30, v60  }
0x11a: {  	v3 =	vand.u32 $0x7, v3  }
0x11b: {  	v3 =	vor.u32 v3, v4  }
0x11c: {  	v4 =	vperm.xlane v3, v0;
	_ =	sdelay $0x1  }
0x11d: {  	v4 =	vadd.s32 v1, v4;
	_ =	sdelay $0x3  }
0x11e: {  	v3 =	vperm.xlane v3, v2  }
0x11f: {  	[tilespmem:s18], [sflag:$0x2] =	stream.indirect_vreg.gather [hbm4b:s2+s3], $0x80, v4, vm0, $0xb8;
	[tilespmem:$0x1E400] =	vst v63  }
0x120: {  	v3 =	vadd.s32 v1, v3;
	s18 =	simm.s32 $0x12C00  }
0x121: {  	[tilespmem:s18], [sflag:$0x2] =	stream.indirect_vreg.gather [hbm4b:s5+s3], $0x80, v4, vm0, $0xb8;
	[tilespmem:$0x1E400] =	vst v63  }
0x122: {  	s18 =	simm.s32 $0x13400  }
0x123: {  	[tilespmem:s18], [sflag:$0x2] =	stream.indirect_vreg.gather [hbm4b:s6+s3], $0x80, v4, vm0, $0xb8;
	[tilespmem:$0x1E400] =	vst v63  }
0x124: {  	s18 =	simm.s32 $0x13C00  }
0x125: {  	[tilespmem:s18], [sflag:$0x2] =	stream.indirect_vreg.gather [hbm4b:s2+s3], $0x80, v3, vm0, $0xb8;
	[tilespmem:$0x1E400] =	vst v63  }
0x126: {  	s18 =	simm.s32 $0x14400  }
0x127: {  	[tilespmem:s18], [sflag:$0x2] =	stream.indirect_vreg.gather [hbm4b:s5+s3], $0x80, v3, vm0, $0xb8;
	[tilespmem:$0x1E400] =	vst v63  }
0x128: {  	s18 =	simm.s32 $0x14C00  }
0x129: {  	[tilespmem:s18], [sflag:$0x2] =	stream.indirect_vreg.gather [hbm4b:s6+s3], $0x80, v3, vm0, $0xb8;
	[tilespmem:$0x1E400] =	vst v63  }
0x12a: {  	v3 =	vld [tilespmem:s13+$0xFFFFFFE0];
	_ =	sdelay $0x4  }
0x12b: {  	v61 =	vshrl.u32 v3, $0x3  }
0x12c: {  	v4 =	vmul.u32 $0x30, v61  }
0x12d: {  	v3 =	vand.u32 $0x7, v3  }
0x12e: {  	v3 =	vor.u32 v3, v4  }
0x12f: {  	v4 =	vperm.xlane v3, v0;
	_ =	sdelay $0x1  }
0x130: {  	v4 =	vadd.s32 v1, v4;
	_ =	sdelay $0x3  }
0x131: {  	s18 =	simm.s32 $0x15400;
	v3 =	vperm.xlane v3, v2  }
0x132: {  	[tilespmem:s18], [sflag:$0x2] =	stream.indirect_vreg.gather [hbm4b:s2+s3], $0x80, v4, vm0, $0xb8;
	[tilespmem:$0x1E400] =	vst v63  }
0x133: {  	v3 =	vadd.s32 v1, v3;
	s18 =	simm.s32 $0x15C00  }
0x134: {  	[tilespmem:s18], [sflag:$0x2] =	stream.indirect_vreg.gather [hbm4b:s5+s3], $0x80, v4, vm0, $0xb8;
	[tilespmem:$0x1E400] =	vst v63  }
0x135: {  	s18 =	simm.s32 $0x16400  }
0x136: {  	[tilespmem:s18], [sflag:$0x2] =	stream.indirect_vreg.gather [hbm4b:s6+s3], $0x80, v4, vm0, $0xb8;
	[tilespmem:$0x1E400] =	vst v63  }
0x137: {  	s18 =	simm.s32 $0x16C00  }
0x138: {  	[tilespmem:s18], [sflag:$0x2] =	stream.indirect_vreg.gather [hbm4b:s2+s3], $0x80, v3, vm0, $0xb8;
	[tilespmem:$0x1E400] =	vst v63  }
0x139: {  	s18 =	simm.s32 $0x17400  }
0x13a: {  	[tilespmem:s18], [sflag:$0x2] =	stream.indirect_vreg.gather [hbm4b:s5+s3], $0x80, v3, vm0, $0xb8;
	[tilespmem:$0x1E400] =	vst v63  }
0x13b: {  	s18 =	simm.s32 $0x17C00  }
0x13c: {  	[tilespmem:s18], [sflag:$0x2] =	stream.indirect_vreg.gather [hbm4b:s6+s3], $0x80, v3, vm0, $0xb8;
	[tilespmem:$0x1E400] =	vst v63  }
0x13d: {  	v3 =	vld [tilespmem:s13+$0xFFFFFFF0];
	_ =	sdelay $0x4  }
0x13e: {  	v62 =	vshrl.u32 v3, $0x3  }
0x13f: {  	v4 =	vmul.u32 $0x30, v62  }
0x140: {  	v3 =	vand.u32 $0x7, v3  }
0x141: {  	v3 =	vor.u32 v3, v4  }
0x142: {  	v4 =	vperm.xlane v3, v0;
	_ =	sdelay $0x1  }
0x143: {  	v4 =	vadd.s32 v1, v4;
	_ =	sdelay $0x3  }
0x144: {  	s18 =	simm.s32 $0x18400;
	v3 =	vperm.xlane v3, v2  }
0x145: {  	[tilespmem:s18], [sflag:$0x2] =	stream.indirect_vreg.gather [hbm4b:s2+s3], $0x80, v4, vm0, $0xb8;
	[tilespmem:$0x1E400] =	vst v63  }
0x146: {  	v3 =	vadd.s32 v1, v3;
	s18 =	simm.s32 $0x18C00  }
0x147: {  	[tilespmem:s18], [sflag:$0x2] =	stream.indirect_vreg.gather [hbm4b:s5+s3], $0x80, v4, vm0, $0xb8;
	[tilespmem:$0x1E400] =	vst v63  }
0x148: {  	s18 =	simm.s32 $0x19400  }
0x149: {  	[tilespmem:s18], [sflag:$0x2] =	stream.indirect_vreg.gather [hbm4b:s6+s3], $0x80, v4, vm0, $0xb8;
	[tilespmem:$0x1E400] =	vst v63  }
0x14a: {  	s18 =	simm.s32 $0x19C00  }
0x14b: {  	[tilespmem:s18], [sflag:$0x2] =	stream.indirect_vreg.gather [hbm4b:s2+s3], $0x80, v3, vm0, $0xb8;
	[tilespmem:$0x1E400] =	vst v63  }
0x14c: {  	s18 =	simm.s32 $0x1A400  }
0x14d: {  	[tilespmem:s18], [sflag:$0x2] =	stream.indirect_vreg.gather [hbm4b:s5+s3], $0x80, v3, vm0, $0xb8;
	[tilespmem:$0x1E400] =	vst v63  }
0x14e: {  	s18 =	simm.s32 $0x1AC00  }
0x14f: {  	[tilespmem:s18], [sflag:$0x2] =	stream.indirect_vreg.gather [hbm4b:s6+s3], $0x80, v3, vm0, $0xb8;
	[tilespmem:$0x1E400] =	vst v63  }
0x150: {  	v3 =	vld [tilespmem:s13+$0x0];
	_ =	sdelay $0x4  }
0x151: {  	v63 =	vshrl.u32 v3, $0x3  }
0x152: {  	v4 =	vmul.u32 $0x30, v63  }
0x153: {  	v3 =	vand.u32 $0x7, v3  }
0x154: {  	v3 =	vor.u32 v3, v4  }
0x155: {  	v4 =	vperm.xlane v3, v0;
	_ =	sdelay $0x1  }
0x156: {  	v4 =	vadd.s32 v1, v4;
	_ =	sdelay $0x3  }
0x157: {  	s18 =	simm.s32 $0x1B400;
	v3 =	vperm.xlane v3, v2  }
0x158: {  	[tilespmem:s18], [sflag:$0x2] =	stream.indirect_vreg.gather [hbm4b:s2+s3], $0x80, v4, vm0, $0xb8;
	[tilespmem:$0x1E400] =	vst v63  }
0x159: {  	v3 =	vadd.s32 v1, v3;
	s18 =	simm.s32 $0x1BC00  }
0x15a: {  	[tilespmem:s18], [sflag:$0x2] =	stream.indirect_vreg.gather [hbm4b:s5+s3], $0x80, v4, vm0, $0xb8;
	[tilespmem:$0x1E400] =	vst v63  }
0x15b: {  	_ = 	snop  }
0x15c: {  	[tilespmem:s26], [sflag:$0x2] =	stream.indirect_vreg.gather [hbm4b:s6+s3], $0x80, v4, vm0, $0xb8;
	[tilespmem:$0x1E400] =	vst v63  }
0x15d: {  	p0 =	sne.s32 s14, $0x252000  }
0x15e: {  	[tilespmem:s31], [sflag:$0x2] =	stream.indirect_vreg.gather [hbm4b:s2+s3], $0x80, v3, vm0, $0xb8;
	[tilespmem:$0x1E400] =	vst v63  }
.Ltmp0:
0x15f: {  	_ = 	snop;
	(pc) =	sbr.rel @p0 .LBB2_2-.Ltmp0, $4  }
0x160: {  	_ = 	snop  }
0x161: {  	[tilespmem:s16], [sflag:$0x2] =	stream.indirect_vreg.gather [hbm4b:s5+s3], $0x80, v3, vm0, $0xb8;
	[tilespmem:$0x1E400] =	vst v63  }
0x162: {  	s14 =	sadd.s32 $0x3000, s14;
	s15 =	simm.s32 $0x12400;
	s13 =	sadd.s32 $0x80, s13  }
0x163: {  	[tilespmem:s20], [sflag:$0x2] =	stream.indirect_vreg.gather [hbm4b:s6+s3], $0x80, v3, vm0, $0xb8;
	[tilespmem:$0x1E400] =	vst v63  }
0x164: {  	_ =	swait.ge [sflag:s8], $0xC000  }
0x165: {  	[sflag:s8] =	ssyncset.done $0x0  }
0x166: {  	s13 =	rddreg [dreg:$0x8];
	[sflag:s8] =	ssyncadd.s32 $0xFFFF4000  }
0x167: {  	[hbm4b:s13+s3] =	stream.linear.scatter [tilespmem:s15], [sflag:$0x4], $0xC000, $0x38;
	[tilespmem:$0x1E400] =	vst v63  }
0x168: {  	_ =	swait.ge [sflag:s10], $0xC000  }
0x169: {  	s14 =	simm.s32 $0x6C00;
	[sflag:s10] =	ssyncset.done $0x0  }
0x16a: {  	s30 =	simm.s32 $0x7400;
	s16 =	simm.s32 $0x7C00;
	[sflag:s10] =	ssyncadd.s32 $0xFFFF4000  }
0x16b: {  	s17 =	simm.s32 $0x8400;
	s18 =	simm.s32 $0x8C00;
	_ =	swait.ge [sflag:s12], $0xC000  }
0x16c: {  	s19 =	simm.s32 $0x9400;
	s20 =	simm.s32 $0x9C00;
	s0 =	rddreg [dreg:$0xa]  }
0x16d: {  	s21 =	simm.s32 $0xA400;
	s26 =	rddreg [dreg:$0x9];
	s0 =	sadd.s32 $0x1, s0  }
0x16e: {  	s22 =	simm.s32 $0xAC00;
	s23 =	simm.s32 $0xB400;
	p0 =	sne.s32 s0, s26  }
.Ltmp1:
0x16f: {  	s24 =	simm.s32 $0xBC00;
	s25 =	simm.s32 $0xC400;
	(pc) =	sbr.rel @p0 .LBB2_1-.Ltmp1, $4  }
0x170: {  	s28 =	simm.s32 $0xD400;
	s29 =	simm.s32 $0xDC00;
	s1 =	simm.s32 $0xE400  }
0x171: {  	s4 =	simm.s32 $0xF400;
	s11 =	simm.s32 $0xFC00;
	[sflag:s12] =	ssyncset.done $0x0  }
0x172: {  	s7 =	simm.s32 $0x6400;
	s31 =	simm.s32 $0x10400;
	[sflag:s12] =	ssyncadd.s32 $0xFFFF4000  }
0x173: {  	[dreg:$0xa] =	wrdreg s0;
	s26 =	simm.s32 $0xCC00;
	s0 =	simm.s32 $0xEC00  }
0x174: {  	_ =	sfence.sel $0x180000  }
0x175: {  	[bflag:$0x0] =	sbarrier.arrive $0xFFFF  }
0x176: {  	_ =	strace $0x90000047  }
0x177: {  	s0 =	stileid.u32;
	[bflag:$0x2] =	sbarrier.arrive $0xFFFF  }
0x178: {  	p0 =	sne.s32 s0, $0x0;
	s0 =	rddreg [dreg:$0x3]  }
0x179: {  	s0 =	sadd.s32 @!p0 $0x100000, s0  }
0x17a: {  	[sflag:s0] =	ssyncadd.tile.s32 @!p0 $0x1;
	_ =	shalt  }
.Lfunc_end2:
_tile_overlayer_lowered:
.L_overlay_start_2:
0x17b: {  	(tag) =	ssettag $0x2  }
0x17c: {  	s0 =	rddreg [dreg:$0x0];
	s2 =	stileid.u32  }
0x17d: {  	s1 =	rddreg [dreg:$0x1];
	p0 =	sne.s32 s2, $0x0  }
0x17e: {  	s3 =	rddreg [dreg:$0x2];
	[bflag:$0x3] =	sbarrier.arrive $0xFFFF;
	s2 =	simm.s32 @!p0 $0x1C05  }
0x17f: {  	[timem:s3], [sflag:s2] =	dma.local @!p0 [hbm:s0], s1  }
0x180: {  	s0 =	simm.s32 @!p0 $0x5  }
0x181: {  	_ =	swait.ge @!p0 [sflag:s0], s1  }
0x182: {  	s1 =	ssub.s32 @!p0 $0x0, s1;
	[sflag:s0] =	ssyncset.done @!p0 $0x0  }
0x183: {  	[sflag:s0] =	ssyncadd.s32 @!p0 s1  }
0x184: {  	[bflag:$0x3] =	sbarrier.arrive $0xFFFF  }
0x185: {  	_ =	shalt  }

</sc_bundles>
